<compile_context>
chip_gen: v7x
topology: tpu7x:2x2x1
jax: 0.10.2.dev20260603
libtpu: 0.0.44.dev20260713+nightly
codegen_flags: <defaults>
</compile_context>

<pallas_src>
import functools

import jax
import jax.numpy as jnp
import numpy as np
from jax import lax
from jax.experimental import pallas as pl
from jax.experimental.pallas import tpu as pltpu
from jax.experimental.pallas import tpu_sc as plsc

_NQ = 4096
_NK = 16384
_QDI = 64
_QDO = 32
_VDI = 64
_VDO = 32
_KVD = _QDO + _VDO
_L = 16
_W = 128

_NC = 2
_NS = 16
_NW = _NC * _NS
_KPW = _NK // _NW
_CH = 128
_NCH = _KPW // _CH
_CW = _VDO + _L
_RPT = _NQ // _NS
_G = _KPW // _L

_ISQ = np.float32(1.0 / np.sqrt(np.float32(_QDO)))

_SC_PARAMS = pltpu.CompilerParams(
    use_tc_tiling_on_sc=False, needs_layout_passes=False)

_DN = (((0,), (1,)), ((), ()))


def _sc_mesh():
    return plsc.VectorSubcoreMesh(
        core_axis_name="c", subcore_axis_name="s",
        num_cores=_NC, num_subcores=_NS)


def _proj_body(x1t_ref, x2ta_ref, x2tb_ref, wqt_ref, bq_ref, wkt_ref, bk_ref,
               wvt_ref, bv_ref, q_ref, kv_ref):
    q = lax.dot_general(x1t_ref[...], wqt_ref[...], _DN,
                        preferred_element_type=jnp.float32)
    q_ref[...] = q + bq_ref[...]
    ka = lax.dot_general(x2ta_ref[...], wkt_ref[...], _DN,
                         preferred_element_type=jnp.float32)
    va = lax.dot_general(x2ta_ref[...], wvt_ref[...], _DN,
                         preferred_element_type=jnp.float32)
    kb = lax.dot_general(x2tb_ref[...], wkt_ref[...], _DN,
                         preferred_element_type=jnp.float32)
    vb = lax.dot_general(x2tb_ref[...], wvt_ref[...], _DN,
                         preferred_element_type=jnp.float32)
    kv_ref[:, 0:_QDO] = ka + bk_ref[...]
    kv_ref[:, _QDO:_KVD] = va + bv_ref[...]
    kv_ref[:, _KVD:_KVD + _QDO] = kb + bk_ref[...]
    kv_ref[:, _KVD + _QDO:_W] = vb + bv_ref[...]


def _tc_proj(X1t, X2t, Wqt, bq2, Wkt, bk2, Wvt, bv2):
    g = 2
    return pl.pallas_call(
        _proj_body,
        grid=(g,),
        in_specs=[
            pl.BlockSpec((_QDI, _NQ // g), lambda i: (0, i)),
            pl.BlockSpec((_VDI, _NK // (2 * g)), lambda i: (0, i)),
            pl.BlockSpec((_VDI, _NK // (2 * g)), lambda i: (0, i + g)),
            pl.BlockSpec((_QDO, _QDI), lambda i: (0, 0)),
            pl.BlockSpec((1, _QDO), lambda i: (0, 0)),
            pl.BlockSpec((_QDO, _VDI), lambda i: (0, 0)),
            pl.BlockSpec((1, _QDO), lambda i: (0, 0)),
            pl.BlockSpec((_VDO, _VDI), lambda i: (0, 0)),
            pl.BlockSpec((1, _VDO), lambda i: (0, 0)),
        ],
        out_specs=[
            pl.BlockSpec((_NQ // g, _QDO), lambda i: (i, 0)),
            pl.BlockSpec((_NK // (2 * g), _W), lambda i: (i, 0)),
        ],
        out_shape=[
            jax.ShapeDtypeStruct((_NQ, _QDO), jnp.float32),
            jax.ShapeDtypeStruct((_NK // 2, _W), jnp.float32),
        ],
    )(X1t, X2t, X2t, Wqt, bq2, Wkt, bk2, Wvt, bv2)


def _sc_attend(Q, KV, row_map):
    @functools.partial(
        pl.kernel,
        out_type=(
            jax.ShapeDtypeStruct((_NQ, _W), jnp.float32),
            jax.ShapeDtypeStruct((8, _W), jnp.float32),
        ),
        mesh=_sc_mesh(),
        scratch_types=[
            pltpu.VMEM((_NCH, _CH), jnp.int32),
            pltpu.VMEM((_KPW, _QDO), jnp.float32),
            pltpu.VMEM((_KPW // 2, _W), jnp.float32),
            pltpu.VMEM((_KPW,), jnp.float32),
            pltpu.VMEM((_KPW,), jnp.float32),
            pltpu.VMEM((_KPW, _CW), jnp.float32),
            pltpu.VMEM((64, _CW), jnp.float32),
            pltpu.VMEM((_L,), jnp.float32),
            pltpu.VMEM((_NS, _L), jnp.float32),
            pltpu.VMEM_SHARED((_NS, _L), jnp.float32),
            pltpu.VMEM_SHARED((_NQ, _CW), jnp.float32),
            pltpu.SemaphoreType.DMA,
            pltpu.SemaphoreType.DMA,
            pltpu.SemaphoreType.DMA,
            pltpu.SemaphoreType.DMA,
        ],
        compiler_params=_SC_PARAMS,
    )
    def k(q_hbm, kv_hbm, rm_hbm, out_hbm, mx_hbm,
          idx_v, qg_v, kv_v, s_v, e_v, ct_v, zb_v, mymax_v, allmax_v, mx_sh, acc_sh,
          sem_i, sem_k, sem_g, sem_z):
        c = lax.axis_index("c")
        s = lax.axis_index("s")
        w = s * _NC + c
        blo = w * (_KPW // 2)
        bhi = _NK // 2 + blo

        starts = [blo, blo + _CH, bhi, bhi + _CH]
        idx_cps = [
            pltpu.async_copy(rm_hbm.at[pl.ds(starts[j], _CH)],
                             idx_v.at[j], sem_i)
            for j in range(_NCH)
        ]
        kv_cp = pltpu.async_copy(
            kv_hbm.at[pl.ds(blo, _KPW // 2)], kv_v, sem_k)

        g_cps = []
        for j in range(_NCH):
            idx_cps[j].wait()
            g_cps.append(pltpu.async_copy(
                q_hbm.at[idx_v.at[j]],
                qg_v.at[pl.ds(j * _CH, _CH)], sem_g))

        zero16 = jnp.zeros((_L,), jnp.float32)

        def zero_body(i, carry):
            zb_v[i, pl.ds(0, _L)] = zero16
            zb_v[i, pl.ds(_L, _L)] = zero16
            zb_v[i, pl.ds(2 * _L, _L)] = zero16
            return carry

        lax.fori_loop(0, 64, zero_body, 0)
        z_cps = [
            pltpu.async_copy(zb_v, acc_sh.at[pl.ds(s * _RPT + t * 64, 64)],
                             sem_z)
            for t in range(_RPT // 64)
        ]

        kv_cp.wait()
        for cp in g_cps:
            cp.wait()

        lane = lax.iota(jnp.int32, _L)
        last = lane == (_L - 1)

        @plsc.parallel_loop(0, _KPW, unroll=4)
        def dot_body(j):
            t = j & (_KPW // 2 - 1)
            coff = (j >> 8) * _KVD
            p = (qg_v[j, pl.ds(0, _L)] * kv_v[t, pl.ds(coff, _L)]
                 + qg_v[j, pl.ds(_L, _L)] * kv_v[t, pl.ds(coff + _L, _L)])
            tot = plsc.cumsum(p) * _ISQ
            plsc.store_scatter(s_v, [jnp.full((_L,), j, jnp.int32)], tot,
                               mask=last)

        def max_body(g, mx):
            return jnp.maximum(mx, s_v[pl.ds(g * _L, _L)])

        mx = lax.fori_loop(1, _G, max_body, s_v[pl.ds(0, _L)])
        mymax_v[...] = jnp.broadcast_to(jnp.max(mx), (_L,))

        pltpu.sync_copy(mymax_v, mx_sh.at[s])
        plsc.subcore_barrier()
        pltpu.sync_copy(mx_sh, allmax_v)

        def cmax_body(t, mx):
            return jnp.maximum(mx, allmax_v[t, :])

        mcore = lax.fori_loop(1, _NS, cmax_body, allmax_v[0, :])

        @pl.when(s == 0)
        def _():
            mymax_v[...] = mcore
            pltpu.sync_copy(mymax_v, mx_hbm.at[c, pl.ds(0, _L)])

        @plsc.parallel_loop(0, _G, unroll=2)
        def ct_body(g):
            e16 = jnp.exp(s_v[pl.ds(g * _L, _L)] - mcore)
            e_v[pl.ds(g * _L, _L)] = e16

        for cp in z_cps:
            cp.wait()
        plsc.subcore_barrier()

        sc_cps = []
        for ch in range(_NCH):
            @plsc.parallel_loop(ch * _CH, (ch + 1) * _CH, unroll=4)
            def row_body(j):
                t = j & (_KPW // 2 - 1)
                coff = (j >> 8) * _KVD + _QDO
                esp = plsc.load_gather(e_v, [jnp.full((_L,), j, jnp.int32)])
                ct_v[j, pl.ds(0, _L)] = esp * kv_v[t, pl.ds(coff, _L)]
                ct_v[j, pl.ds(_L, _L)] = esp * kv_v[t, pl.ds(coff + _L, _L)]
                ct_v[j, pl.ds(2 * _L, _L)] = esp

            sc_cps.append(pltpu.async_copy(
                ct_v.at[pl.ds(ch * _CH, _CH)],
                acc_sh.at[idx_v.at[ch]], sem_z, add=True))
        for cp in sc_cps:
            cp.wait()
        plsc.subcore_barrier()

        @pl.when(c == 0)
        def _():
            pltpu.sync_copy(acc_sh.at[pl.ds(s * _RPT, _RPT)],
                            out_hbm.at[pl.ds(s * _RPT, _RPT), pl.ds(0, _CW)])

        @pl.when(c == 1)
        def _():
            pltpu.sync_copy(acc_sh.at[pl.ds(s * _RPT, _RPT)],
                            out_hbm.at[pl.ds(s * _RPT, _RPT), pl.ds(_CW, _CW)])

    return k(Q, KV, row_map)


def _combine_body(p_ref, mx_ref, c_ref):
    m0 = jnp.max(mx_ref[0:1, 0:_L])
    m1 = jnp.max(mx_ref[1:2, 0:_L])
    mg = jnp.maximum(m0, m1)
    a0 = jnp.exp(m0 - mg)
    a1 = jnp.exp(m1 - mg)
    p = p_ref[...]
    num = a0 * p[:, :_VDO] + a1 * p[:, _CW:_CW + _VDO]
    den = (a0 * p[:, _VDO:_VDO + 1] + a1 * p[:, _CW + _VDO:_CW + _VDO + 1])
    inv = jnp.where(den != 0.0, 1.0 / den, 0.0)
    c_ref[...] = (num * inv).T


def _tc_combine(P, MX):
    return pl.pallas_call(
        _combine_body,
        in_specs=[
            pl.BlockSpec((_NQ, _W), lambda: (0, 0)),
            pl.BlockSpec((8, _W), lambda: (0, 0)),
        ],
        out_specs=pl.BlockSpec((_VDO, _NQ), lambda: (0, 0)),
        out_shape=jax.ShapeDtypeStruct((_VDO, _NQ), jnp.float32),
    )(P, MX)


def kernel(X1, X2, row_map, Wq, bq, Wk, bk, Wv, bv):
    Q, KV = _tc_proj(X1.T, X2.T, Wq.T, bq.reshape(1, _QDO),
                     Wk.T, bk.reshape(1, _QDO), Wv.T, bv.reshape(1, _VDO))
    P, MX = _sc_attend(Q, KV, row_map)
    return _tc_combine(P, MX).T

# --- scband reference (transcript-rebuilt; emitter-appended) ---
"""Pipeline reference for scband-recursive-attention-73675868995912 (READ-ONLY COPY).

The authoritative reference and input builder live on the scoring server;
editing this copy changes nothing except your own understanding.
"""

import jax, jax.numpy as jnp
import numpy as np

NQ = 4096
NK = 16384
QDI = 64
QDO = 32
VDI = 64
VDO = 32

def _xavier(key, shape):
    fan_in, fan_out = shape[0], shape[1]
    limit = np.sqrt(6.0 / (fan_in + fan_out))
    return jax.random.uniform(key, shape, dtype=jnp.float32, minval=-limit, maxval=limit)

def setup_inputs(seed: int = 0) -> dict:
    key = jax.random.key(seed)
    ks = jax.random.split(key, 9)
    X1 = jax.random.normal(ks[0], (NQ, QDI), dtype=jnp.float32)
    X2 = jax.random.normal(ks[1], (NK, VDI), dtype=jnp.float32)
    row_map = jax.random.randint(ks[2], (NK,), 0, NQ, dtype=jnp.int32)
    Wq = _xavier(ks[3], (QDI, QDO)); bq = jnp.zeros((QDO,), dtype=jnp.float32)
    Wk = _xavier(ks[4], (VDI, QDO)); bk = jnp.zeros((QDO,), dtype=jnp.float32)
    Wv = _xavier(ks[5], (VDI, VDO)); bv = jnp.zeros((VDO,), dtype=jnp.float32)
    return {"X1": X1, "X2": X2, "row_map": row_map,
            "Wq": Wq, "bq": bq, "Wk": Wk, "bk": bk, "Wv": Wv, "bv": bv}

def reference(X1, X2, row_map, Wq, bq, Wk, bk, Wv, bv):
    n = X1.shape[0]
    m = Wv.shape[1]
    # get_used_rows: keep keys with a valid mapping, reindex queries
    X2_rows = jnp.nonzero(row_map >= 0, size=row_map.shape[0])[0]
    rm = row_map[X2_rows]
    X1_rows = jnp.unique(rm, size=n, fill_value=n)  # sorted unique query rows, padded
    new_row_map = jnp.searchsorted(X1_rows, rm)   # reindexed row map
    X1u = X1[X1_rows]
    X2u = X2[X2_rows]
    # dense projections (batch_norm=False, activation=None, dropout=None -> plain linear)
    Q = X1u @ Wq + bq
    K = X2u @ Wk + bk
    V = X2u @ Wv + bv
    S = (Q @ K.T) / jnp.sqrt(jnp.float32(Q.shape[1]))
    cols = jnp.arange(rm.shape[0])
    S_masked = jnp.full_like(S, -1000.0)
    S_masked = S_masked.at[new_row_map, cols].set(S[new_row_map, cols])
    W = jax.nn.softmax(S_masked, axis=1)
    C = jnp.zeros((n, m), dtype=jnp.float32)
    C = C.at[X1_rows].set(W @ V)
    return C

if __name__ == "__main__":
    import jax
    _d = setup_inputs()
    print(jax.jit(kernel)(*tuple(_d.values())))

</pallas_src>

<mosaic_0001>
#map = affine_map<(d0, d1) -> (0, 0)>
#map1 = affine_map<(d0, d1) -> (0)>
module attributes {stable_mosaic.version = 14 : i64} {
  func.func @k(%arg0: i32, %arg1: i32, %arg2: memref<4096x32xf32, #tpu.memory_space<hbm>>, %arg3: memref<8192x128xf32, #tpu.memory_space<hbm>>, %arg4: memref<16384xi32, #tpu.memory_space<hbm>>, %arg5: memref<4096x128xf32, #tpu.memory_space<hbm>>, %arg6: memref<8x128xf32, #tpu.memory_space<hbm>>, %arg7: memref<4x128xi32, #tpu.memory_space<vmem>>, %arg8: memref<512x32xf32, #tpu.memory_space<vmem>>, %arg9: memref<256x128xf32, #tpu.memory_space<vmem>>, %arg10: memref<512xf32, #tpu.memory_space<vmem>>, %arg11: memref<512xf32, #tpu.memory_space<vmem>>, %arg12: memref<512x48xf32, #tpu.memory_space<vmem>>, %arg13: memref<64x48xf32, #tpu.memory_space<vmem>>, %arg14: memref<16xf32, #tpu.memory_space<vmem>>, %arg15: memref<16x16xf32, #tpu.memory_space<vmem>>, %arg16: memref<16x16xf32, #tpu.memory_space<vmem_shared>>, %arg17: memref<4096x48xf32, #tpu.memory_space<vmem_shared>>, %arg18: memref<!tpu.dma_semaphore, #tpu.memory_space<semaphore_mem>>, %arg19: memref<!tpu.dma_semaphore, #tpu.memory_space<semaphore_mem>>, %arg20: memref<!tpu.dma_semaphore, #tpu.memory_space<semaphore_mem>>, %arg21: memref<!tpu.dma_semaphore, #tpu.memory_space<semaphore_mem>>) attributes {dimension_semantics = [#tpu.dimension_semantics<core_parallel>, #tpu.dimension_semantics<subcore_parallel>], iteration_bounds = array<i64: 2, 16>, scalar_prefetch = 0 : i64, scratch_operands = 15 : i64, tpu.core_type = #tpu.core_type<sc_vector_subcore>, window_params = [{transform_indices = #map}, {transform_indices = #map}, {transform_indices = #map1}, {transform_indices = #map}, {transform_indices = #map}]} {
    %mul3A = arith.constant 2 : i32
    %mul3A_0 = arith.muli %arg1, %mul3A : i32
    %add3A = arith.addi %mul3A_0, %arg0 : i32
    %mul3A_1 = arith.constant 256 : i32
    %mul3A_2 = arith.muli %add3A, %mul3A_1 : i32
    %add3A_3 = arith.constant 8192 : i32
    %add3A_4 = arith.addi %add3A_3, %mul3A_2 : i32
    %add3A_5 = arith.constant 128 : i32
    %add3A_6 = arith.addi %mul3A_2, %add3A_5 : i32
    %add3A_7 = arith.constant 128 : i32
    %add3A_8 = arith.addi %add3A_4, %add3A_7 : i32
    %dma_start3A = arith.constant 0 : i32
    %dma_start3A_9 = arith.constant 0 : i32
    %dma_start3A_10 = tpu.memref_slice %arg7[%dma_start3A, %dma_start3A_9] : memref<4x128xi32, #tpu.memory_space<vmem>> -> memref<1x128xi32, #tpu.memory_space<vmem>>
    %dma_start3A_11 = tpu.memref_squeeze %dma_start3A_10 : memref<1x128xi32, #tpu.memory_space<vmem>> -> memref<128xi32, #tpu.memory_space<vmem>>
    %dma_start3A_12 = tpu.memref_slice %arg4[%mul3A_2] : memref<16384xi32, #tpu.memory_space<hbm>> -> memref<128xi32, #tpu.memory_space<hbm>>
    %dma_start3A_13 = arith.constant 0 : i32
    %dma_start3A_14 = tpu.memref_slice %arg7[%dma_start3A, %dma_start3A_13] : memref<4x128xi32, #tpu.memory_space<vmem>> -> memref<1x128xi32, #tpu.memory_space<vmem>>
    %dma_start3A_15 = tpu.memref_squeeze %dma_start3A_14 : memref<1x128xi32, #tpu.memory_space<vmem>> -> memref<128xi32, #tpu.memory_space<vmem>>
    %dma_start3A_16 = tpu.memref_slice %arg4[%mul3A_2] : memref<16384xi32, #tpu.memory_space<hbm>> -> memref<128xi32, #tpu.memory_space<hbm>>
    tpu.enqueue_dma source(%dma_start3A_16 : memref<128xi32, #tpu.memory_space<hbm>>) target(%dma_start3A_15 : memref<128xi32, #tpu.memory_space<vmem>>) target_semaphore(%arg18 : memref<!tpu.dma_semaphore, #tpu.memory_space<semaphore_mem>>)
    %dma_start3A_17 = arith.constant 1 : i32
    %dma_start3A_18 = arith.constant 0 : i32
    %dma_start3A_19 = tpu.memref_slice %arg7[%dma_start3A_17, %dma_start3A_18] : memref<4x128xi32, #tpu.memory_space<vmem>> -> memref<1x128xi32, #tpu.memory_space<vmem>>
    %dma_start3A_20 = tpu.memref_squeeze %dma_start3A_19 : memref<1x128xi32, #tpu.memory_space<vmem>> -> memref<128xi32, #tpu.memory_space<vmem>>
    %dma_start3A_21 = tpu.memref_slice %arg4[%add3A_6] : memref<16384xi32, #tpu.memory_space<hbm>> -> memref<128xi32, #tpu.memory_space<hbm>>
    %dma_start3A_22 = arith.constant 0 : i32
    %dma_start3A_23 = tpu.memref_slice %arg7[%dma_start3A_17, %dma_start3A_22] : memref<4x128xi32, #tpu.memory_space<vmem>> -> memref<1x128xi32, #tpu.memory_space<vmem>>
    %dma_start3A_24 = tpu.memref_squeeze %dma_start3A_23 : memref<1x128xi32, #tpu.memory_space<vmem>> -> memref<128xi32, #tpu.memory_space<vmem>>
    %dma_start3A_25 = tpu.memref_slice %arg4[%add3A_6] : memref<16384xi32, #tpu.memory_space<hbm>> -> memref<128xi32, #tpu.memory_space<hbm>>
    tpu.enqueue_dma source(%dma_start3A_25 : memref<128xi32, #tpu.memory_space<hbm>>) target(%dma_start3A_24 : memref<128xi32, #tpu.memory_space<vmem>>) target_semaphore(%arg18 : memref<!tpu.dma_semaphore, #tpu.memory_space<semaphore_mem>>)
    %dma_start3A_26 = arith.constant 2 : i32
    %dma_start3A_27 = arith.constant 0 : i32
    %dma_start3A_28 = tpu.memref_slice %arg7[%dma_start3A_26, %dma_start3A_27] : memref<4x128xi32, #tpu.memory_space<vmem>> -> memref<1x128xi32, #tpu.memory_space<vmem>>
    %dma_start3A_29 = tpu.memref_squeeze %dma_start3A_28 : memref<1x128xi32, #tpu.memory_space<vmem>> -> memref<128xi32, #tpu.memory_space<vmem>>
    %dma_start3A_30 = tpu.memref_slice %arg4[%add3A_4] : memref<16384xi32, #tpu.memory_space<hbm>> -> memref<128xi32, #tpu.memory_space<hbm>>
    %dma_start3A_31 = arith.constant 0 : i32
    %dma_start3A_32 = tpu.memref_slice %arg7[%dma_start3A_26, %dma_start3A_31] : memref<4x128xi32, #tpu.memory_space<vmem>> -> memref<1x128xi32, #tpu.memory_space<vmem>>
    %dma_start3A_33 = tpu.memref_squeeze %dma_start3A_32 : memref<1x128xi32, #tpu.memory_space<vmem>> -> memref<128xi32, #tpu.memory_space<vmem>>
    %dma_start3A_34 = tpu.memref_slice %arg4[%add3A_4] : memref<16384xi32, #tpu.memory_space<hbm>> -> memref<128xi32, #tpu.memory_space<hbm>>
    tpu.enqueue_dma source(%dma_start3A_34 : memref<128xi32, #tpu.memory_space<hbm>>) target(%dma_start3A_33 : memref<128xi32, #tpu.memory_space<vmem>>) target_semaphore(%arg18 : memref<!tpu.dma_semaphore, #tpu.memory_space<semaphore_mem>>)
    %dma_start3A_35 = arith.constant 3 : i32
    %dma_start3A_36 = arith.constant 0 : i32
    %dma_start3A_37 = tpu.memref_slice %arg7[%dma_start3A_35, %dma_start3A_36] : memref<4x128xi32, #tpu.memory_space<vmem>> -> memref<1x128xi32, #tpu.memory_space<vmem>>
    %dma_start3A_38 = tpu.memref_squeeze %dma_start3A_37 : memref<1x128xi32, #tpu.memory_space<vmem>> -> memref<128xi32, #tpu.memory_space<vmem>>
    %dma_start3A_39 = tpu.memref_slice %arg4[%add3A_8] : memref<16384xi32, #tpu.memory_space<hbm>> -> memref<128xi32, #tpu.memory_space<hbm>>
    %dma_start3A_40 = arith.constant 0 : i32
    %dma_start3A_41 = tpu.memref_slice %arg7[%dma_start3A_35, %dma_start3A_40] : memref<4x128xi32, #tpu.memory_space<vmem>> -> memref<1x128xi32, #tpu.memory_space<vmem>>
    %dma_start3A_42 = tpu.memref_squeeze %dma_start3A_41 : memref<1x128xi32, #tpu.memory_space<vmem>> -> memref<128xi32, #tpu.memory_space<vmem>>
    %dma_start3A_43 = tpu.memref_slice %arg4[%add3A_8] : memref<16384xi32, #tpu.memory_space<hbm>> -> memref<128xi32, #tpu.memory_space<hbm>>
    tpu.enqueue_dma source(%dma_start3A_43 : memref<128xi32, #tpu.memory_space<hbm>>) target(%dma_start3A_42 : memref<128xi32, #tpu.memory_space<vmem>>) target_semaphore(%arg18 : memref<!tpu.dma_semaphore, #tpu.memory_space<semaphore_mem>>)
    %dma_start3A_44 = arith.constant 0 : i32
    %dma_start3A_45 = tpu.memref_slice %arg3[%mul3A_2, %dma_start3A_44] : memref<8192x128xf32, #tpu.memory_space<hbm>> -> memref<256x128xf32, #tpu.memory_space<hbm>>
    %dma_start3A_46 = arith.constant 0 : i32
    %dma_start3A_47 = tpu.memref_slice %arg3[%mul3A_2, %dma_start3A_46] : memref<8192x128xf32, #tpu.memory_space<hbm>> -> memref<256x128xf32, #tpu.memory_space<hbm>>
    tpu.enqueue_dma source(%dma_start3A_47 : memref<256x128xf32, #tpu.memory_space<hbm>>) target(%arg9 : memref<256x128xf32, #tpu.memory_space<vmem>>) target_semaphore(%arg19 : memref<!tpu.dma_semaphore, #tpu.memory_space<semaphore_mem>>)
    %dma_wait3A = arith.constant 0 : i32
    %dma_wait3A_48 = arith.constant 0 : i32
    %dma_wait3A_49 = tpu.memref_slice %arg7[%dma_wait3A, %dma_wait3A_48] : memref<4x128xi32, #tpu.memory_space<vmem>> -> memref<1x128xi32, #tpu.memory_space<vmem>>
    %dma_wait3A_50 = tpu.memref_squeeze %dma_wait3A_49 : memref<1x128xi32, #tpu.memory_space<vmem>> -> memref<128xi32, #tpu.memory_space<vmem>>
    %dma_wait3A_51 = tpu.memref_slice %arg4[%mul3A_2] : memref<16384xi32, #tpu.memory_space<hbm>> -> memref<128xi32, #tpu.memory_space<hbm>>
    %dma_wait3A_52 = arith.constant 0 : i32
    %dma_wait3A_53 = tpu.memref_slice %arg7[%dma_wait3A, %dma_wait3A_52] : memref<4x128xi32, #tpu.memory_space<vmem>> -> memref<1x128xi32, #tpu.memory_space<vmem>>
    %dma_wait3A_54 = tpu.memref_squeeze %dma_wait3A_53 : memref<1x128xi32, #tpu.memory_space<vmem>> -> memref<128xi32, #tpu.memory_space<vmem>>
    %dma_wait3A_55 = tpu.memref_slice %arg4[%mul3A_2] : memref<16384xi32, #tpu.memory_space<hbm>> -> memref<128xi32, #tpu.memory_space<hbm>>
    tpu.wait_dma2 semaphore(%arg18 : memref<!tpu.dma_semaphore, #tpu.memory_space<semaphore_mem>>) src(%dma_wait3A_55 : memref<128xi32, #tpu.memory_space<hbm>>) dst(%dma_wait3A_54 : memref<128xi32, #tpu.memory_space<vmem>>)
    %dma_start3A_56 = arith.constant 0 : i32
    %dma_start3A_57 = arith.constant 0 : i32
    %dma_start3A_58 = arith.constant 0 : i32
    %dma_start3A_59 = tpu.memref_slice %arg8[%dma_start3A_57, %dma_start3A_58] : memref<512x32xf32, #tpu.memory_space<vmem>> -> memref<128x32xf32, #tpu.memory_space<vmem>>
    %dma_start3A_60 = arith.constant 0 : i32
    %dma_start3A_61 = tpu.memref_slice %arg7[%dma_start3A_56, %dma_start3A_60] : memref<4x128xi32, #tpu.memory_space<vmem>> -> memref<1x128xi32, #tpu.memory_space<vmem>>
    %dma_start3A_62 = tpu.memref_squeeze %dma_start3A_61 : memref<1x128xi32, #tpu.memory_space<vmem>> -> memref<128xi32, #tpu.memory_space<vmem>>
    %dma_start3A_63 = arith.constant 0 : i32
    %dma_start3A_64 = arith.constant 0 : i32
    %dma_start3A_65 = tpu.memref_slice %arg2[%dma_start3A_63, %dma_start3A_64] : memref<4096x32xf32, #tpu.memory_space<hbm>> -> memref<4096x32xf32, #tpu.memory_space<hbm>>
    tpu.enqueue_indirect_dma source(%dma_start3A_65 : memref<4096x32xf32, #tpu.memory_space<hbm>>) target(%dma_start3A_59 : memref<128x32xf32, #tpu.memory_space<vmem>>) offsets(%dma_start3A_62 : memref<128xi32, #tpu.memory_space<vmem>>) semaphore(%arg20 : memref<!tpu.dma_semaphore, #tpu.memory_space<semaphore_mem>>)
    %dma_wait3A_66 = arith.constant 1 : i32
    %dma_wait3A_67 = arith.constant 0 : i32
    %dma_wait3A_68 = tpu.memref_slice %arg7[%dma_wait3A_66, %dma_wait3A_67] : memref<4x128xi32, #tpu.memory_space<vmem>> -> memref<1x128xi32, #tpu.memory_space<vmem>>
    %dma_wait3A_69 = tpu.memref_squeeze %dma_wait3A_68 : memref<1x128xi32, #tpu.memory_space<vmem>> -> memref<128xi32, #tpu.memory_space<vmem>>
    %dma_wait3A_70 = tpu.memref_slice %arg4[%add3A_6] : memref<16384xi32, #tpu.memory_space<hbm>> -> memref<128xi32, #tpu.memory_space<hbm>>
    %dma_wait3A_71 = arith.constant 0 : i32
    %dma_wait3A_72 = tpu.memref_slice %arg7[%dma_wait3A_66, %dma_wait3A_71] : memref<4x128xi32, #tpu.memory_space<vmem>> -> memref<1x128xi32, #tpu.memory_space<vmem>>
    %dma_wait3A_73 = tpu.memref_squeeze %dma_wait3A_72 : memref<1x128xi32, #tpu.memory_space<vmem>> -> memref<128xi32, #tpu.memory_space<vmem>>
    %dma_wait3A_74 = tpu.memref_slice %arg4[%add3A_6] : memref<16384xi32, #tpu.memory_space<hbm>> -> memref<128xi32, #tpu.memory_space<hbm>>
    tpu.wait_dma2 semaphore(%arg18 : memref<!tpu.dma_semaphore, #tpu.memory_space<semaphore_mem>>) src(%dma_wait3A_74 : memref<128xi32, #tpu.memory_space<hbm>>) dst(%dma_wait3A_73 : memref<128xi32, #tpu.memory_space<vmem>>)
    %dma_start3A_75 = arith.constant 1 : i32
    %dma_start3A_76 = arith.constant 128 : i32
    %dma_start3A_77 = arith.constant 0 : i32
    %dma_start3A_78 = tpu.memref_slice %arg8[%dma_start3A_76, %dma_start3A_77] : memref<512x32xf32, #tpu.memory_space<vmem>> -> memref<128x32xf32, #tpu.memory_space<vmem>>
    %dma_start3A_79 = arith.constant 0 : i32
    %dma_start3A_80 = tpu.memref_slice %arg7[%dma_start3A_75, %dma_start3A_79] : memref<4x128xi32, #tpu.memory_space<vmem>> -> memref<1x128xi32, #tpu.memory_space<vmem>>
    %dma_start3A_81 = tpu.memref_squeeze %dma_start3A_80 : memref<1x128xi32, #tpu.memory_space<vmem>> -> memref<128xi32, #tpu.memory_space<vmem>>
    %dma_start3A_82 = arith.constant 0 : i32
    %dma_start3A_83 = arith.constant 0 : i32
    %dma_start3A_84 = tpu.memref_slice %arg2[%dma_start3A_82, %dma_start3A_83] : memref<4096x32xf32, #tpu.memory_space<hbm>> -> memref<4096x32xf32, #tpu.memory_space<hbm>>
    tpu.enqueue_indirect_dma source(%dma_start3A_84 : memref<4096x32xf32, #tpu.memory_space<hbm>>) target(%dma_start3A_78 : memref<128x32xf32, #tpu.memory_space<vmem>>) offsets(%dma_start3A_81 : memref<128xi32, #tpu.memory_space<vmem>>) semaphore(%arg20 : memref<!tpu.dma_semaphore, #tpu.memory_space<semaphore_mem>>)
    %dma_wait3A_85 = arith.constant 2 : i32
    %dma_wait3A_86 = arith.constant 0 : i32
    %dma_wait3A_87 = tpu.memref_slice %arg7[%dma_wait3A_85, %dma_wait3A_86] : memref<4x128xi32, #tpu.memory_space<vmem>> -> memref<1x128xi32, #tpu.memory_space<vmem>>
    %dma_wait3A_88 = tpu.memref_squeeze %dma_wait3A_87 : memref<1x128xi32, #tpu.memory_space<vmem>> -> memref<128xi32, #tpu.memory_space<vmem>>
    %dma_wait3A_89 = tpu.memref_slice %arg4[%add3A_4] : memref<16384xi32, #tpu.memory_space<hbm>> -> memref<128xi32, #tpu.memory_space<hbm>>
    %dma_wait3A_90 = arith.constant 0 : i32
    %dma_wait3A_91 = tpu.memref_slice %arg7[%dma_wait3A_85, %dma_wait3A_90] : memref<4x128xi32, #tpu.memory_space<vmem>> -> memref<1x128xi32, #tpu.memory_space<vmem>>
    %dma_wait3A_92 = tpu.memref_squeeze %dma_wait3A_91 : memref<1x128xi32, #tpu.memory_space<vmem>> -> memref<128xi32, #tpu.memory_space<vmem>>
    %dma_wait3A_93 = tpu.memref_slice %arg4[%add3A_4] : memref<16384xi32, #tpu.memory_space<hbm>> -> memref<128xi32, #tpu.memory_space<hbm>>
    tpu.wait_dma2 semaphore(%arg18 : memref<!tpu.dma_semaphore, #tpu.memory_space<semaphore_mem>>) src(%dma_wait3A_93 : memref<128xi32, #tpu.memory_space<hbm>>) dst(%dma_wait3A_92 : memref<128xi32, #tpu.memory_space<vmem>>)
    %dma_start3A_94 = arith.constant 2 : i32
    %dma_start3A_95 = arith.constant 256 : i32
    %dma_start3A_96 = arith.constant 0 : i32
    %dma_start3A_97 = tpu.memref_slice %arg8[%dma_start3A_95, %dma_start3A_96] : memref<512x32xf32, #tpu.memory_space<vmem>> -> memref<128x32xf32, #tpu.memory_space<vmem>>
    %dma_start3A_98 = arith.constant 0 : i32
    %dma_start3A_99 = tpu.memref_slice %arg7[%dma_start3A_94, %dma_start3A_98] : memref<4x128xi32, #tpu.memory_space<vmem>> -> memref<1x128xi32, #tpu.memory_space<vmem>>
    %dma_start3A_100 = tpu.memref_squeeze %dma_start3A_99 : memref<1x128xi32, #tpu.memory_space<vmem>> -> memref<128xi32, #tpu.memory_space<vmem>>
    %dma_start3A_101 = arith.constant 0 : i32
    %dma_start3A_102 = arith.constant 0 : i32
    %dma_start3A_103 = tpu.memref_slice %arg2[%dma_start3A_101, %dma_start3A_102] : memref<4096x32xf32, #tpu.memory_space<hbm>> -> memref<4096x32xf32, #tpu.memory_space<hbm>>
    tpu.enqueue_indirect_dma source(%dma_start3A_103 : memref<4096x32xf32, #tpu.memory_space<hbm>>) target(%dma_start3A_97 : memref<128x32xf32, #tpu.memory_space<vmem>>) offsets(%dma_start3A_100 : memref<128xi32, #tpu.memory_space<vmem>>) semaphore(%arg20 : memref<!tpu.dma_semaphore, #tpu.memory_space<semaphore_mem>>)
    %dma_wait3A_104 = arith.constant 3 : i32
    %dma_wait3A_105 = arith.constant 0 : i32
    %dma_wait3A_106 = tpu.memref_slice %arg7[%dma_wait3A_104, %dma_wait3A_105] : memref<4x128xi32, #tpu.memory_space<vmem>> -> memref<1x128xi32, #tpu.memory_space<vmem>>
    %dma_wait3A_107 = tpu.memref_squeeze %dma_wait3A_106 : memref<1x128xi32, #tpu.memory_space<vmem>> -> memref<128xi32, #tpu.memory_space<vmem>>
    %dma_wait3A_108 = tpu.memref_slice %arg4[%add3A_8] : memref<16384xi32, #tpu.memory_space<hbm>> -> memref<128xi32, #tpu.memory_space<hbm>>
    %dma_wait3A_109 = arith.constant 0 : i32
    %dma_wait3A_110 = tpu.memref_slice %arg7[%dma_wait3A_104, %dma_wait3A_109] : memref<4x128xi32, #tpu.memory_space<vmem>> -> memref<1x128xi32, #tpu.memory_space<vmem>>
    %dma_wait3A_111 = tpu.memref_squeeze %dma_wait3A_110 : memref<1x128xi32, #tpu.memory_space<vmem>> -> memref<128xi32, #tpu.memory_space<vmem>>
    %dma_wait3A_112 = tpu.memref_slice %arg4[%add3A_8] : memref<16384xi32, #tpu.memory_space<hbm>> -> memref<128xi32, #tpu.memory_space<hbm>>
    tpu.wait_dma2 semaphore(%arg18 : memref<!tpu.dma_semaphore, #tpu.memory_space<semaphore_mem>>) src(%dma_wait3A_112 : memref<128xi32, #tpu.memory_space<hbm>>) dst(%dma_wait3A_111 : memref<128xi32, #tpu.memory_space<vmem>>)
    %dma_start3A_113 = arith.constant 3 : i32
    %dma_start3A_114 = arith.constant 384 : i32
    %dma_start3A_115 = arith.constant 0 : i32
    %dma_start3A_116 = tpu.memref_slice %arg8[%dma_start3A_114, %dma_start3A_115] : memref<512x32xf32, #tpu.memory_space<vmem>> -> memref<128x32xf32, #tpu.memory_space<vmem>>
    %dma_start3A_117 = arith.constant 0 : i32
    %dma_start3A_118 = tpu.memref_slice %arg7[%dma_start3A_113, %dma_start3A_117] : memref<4x128xi32, #tpu.memory_space<vmem>> -> memref<1x128xi32, #tpu.memory_space<vmem>>
    %dma_start3A_119 = tpu.memref_squeeze %dma_start3A_118 : memref<1x128xi32, #tpu.memory_space<vmem>> -> memref<128xi32, #tpu.memory_space<vmem>>
    %dma_start3A_120 = arith.constant 0 : i32
    %dma_start3A_121 = arith.constant 0 : i32
    %dma_start3A_122 = tpu.memref_slice %arg2[%dma_start3A_120, %dma_start3A_121] : memref<4096x32xf32, #tpu.memory_space<hbm>> -> memref<4096x32xf32, #tpu.memory_space<hbm>>
    tpu.enqueue_indirect_dma source(%dma_start3A_122 : memref<4096x32xf32, #tpu.memory_space<hbm>>) target(%dma_start3A_116 : memref<128x32xf32, #tpu.memory_space<vmem>>) offsets(%dma_start3A_119 : memref<128xi32, #tpu.memory_space<vmem>>) semaphore(%arg20 : memref<!tpu.dma_semaphore, #tpu.memory_space<semaphore_mem>>)
    %broadcast_in_dim3A = arith.constant 0.000000e+00 : f32
    %broadcast_in_dim3A_123 = vector.broadcast %broadcast_in_dim3A : f32 to vector<16xf32>
    %scan3A = arith.constant 0 : i32
    %scan3A_124 = arith.constant 0 : i32
    %scan3A_125 = arith.constant 64 : i32
    %scan3A_126 = arith.addi %scan3A_124, %scan3A_125 : i32
    %scan3A_127 = arith.constant 1 : i32
    scf.for %scan3A_357 = %scan3A_124 to %scan3A_126 step %scan3A_127  : i32 {
      %swap3A_358 = arith.index_cast %scan3A_357 : i32 to index
      %swap3A_359 = arith.constant 0 : index
      %swap3A_360 = tpu.vector_load %arg13[%swap3A_358, %swap3A_359] {strides = array<i32>} : memref<64x48xf32, #tpu.memory_space<vmem>>, vector<16xf32>,
      tpu.vector_store %arg13[%swap3A_358, %swap3A_359], %broadcast_in_dim3A_123 {strides = array<i32>} : memref<64x48xf32, #tpu.memory_space<vmem>>, vector<16xf32>,
      %swap3A_361 = arith.index_cast %scan3A_357 : i32 to index
      %swap3A_362 = arith.constant 16 : index
      %swap3A_363 = tpu.vector_load %arg13[%swap3A_361, %swap3A_362] {strides = array<i32>} : memref<64x48xf32, #tpu.memory_space<vmem>>, vector<16xf32>,
      tpu.vector_store %arg13[%swap3A_361, %swap3A_362], %broadcast_in_dim3A_123 {strides = array<i32>} : memref<64x48xf32, #tpu.memory_space<vmem>>, vector<16xf32>,
      %swap3A_364 = arith.index_cast %scan3A_357 : i32 to index
      %swap3A_365 = arith.constant 32 : index
      %swap3A_366 = tpu.vector_load %arg13[%swap3A_364, %swap3A_365] {strides = array<i32>} : memref<64x48xf32, #tpu.memory_space<vmem>>, vector<16xf32>,
      tpu.vector_store %arg13[%swap3A_364, %swap3A_365], %broadcast_in_dim3A_123 {strides = array<i32>} : memref<64x48xf32, #tpu.memory_space<vmem>>, vector<16xf32>,
    }
    %scan3A_128 = arith.constant 64 : i32
    %mul3A_129 = arith.constant 256 : i32
    %mul3A_130 = arith.muli %arg1, %mul3A_129 : i32
    %add3A_131 = arith.constant 0 : i32
    %add3A_132 = arith.addi %mul3A_130, %add3A_131 : i32
    %dma_start3A_133 = arith.constant 0 : i32
    %dma_start3A_134 = tpu.memref_slice %arg17[%add3A_132, %dma_start3A_133] : memref<4096x48xf32, #tpu.memory_space<vmem_shared>> -> memref<64x48xf32, #tpu.memory_space<vmem_shared>>
    %dma_start3A_135 = arith.constant 0 : i32
    %dma_start3A_136 = tpu.memref_slice %arg17[%add3A_132, %dma_start3A_135] : memref<4096x48xf32, #tpu.memory_space<vmem_shared>> -> memref<64x48xf32, #tpu.memory_space<vmem_shared>>
    tpu.enqueue_dma source(%arg13 : memref<64x48xf32, #tpu.memory_space<vmem>>) target(%dma_start3A_136 : memref<64x48xf32, #tpu.memory_space<vmem_shared>>) target_semaphore(%arg21 : memref<!tpu.dma_semaphore, #tpu.memory_space<semaphore_mem>>)
    %mul3A_137 = arith.constant 256 : i32
    %mul3A_138 = arith.muli %arg1, %mul3A_137 : i32
    %add3A_139 = arith.constant 64 : i32
    %add3A_140 = arith.addi %mul3A_138, %add3A_139 : i32
    %dma_start3A_141 = arith.constant 0 : i32
    %dma_start3A_142 = tpu.memref_slice %arg17[%add3A_140, %dma_start3A_141] : memref<4096x48xf32, #tpu.memory_space<vmem_shared>> -> memref<64x48xf32, #tpu.memory_space<vmem_shared>>
    %dma_start3A_143 = arith.constant 0 : i32
    %dma_start3A_144 = tpu.memref_slice %arg17[%add3A_140, %dma_start3A_143] : memref<4096x48xf32, #tpu.memory_space<vmem_shared>> -> memref<64x48xf32, #tpu.memory_space<vmem_shared>>
    tpu.enqueue_dma source(%arg13 : memref<64x48xf32, #tpu.memory_space<vmem>>) target(%dma_start3A_144 : memref<64x48xf32, #tpu.memory_space<vmem_shared>>) target_semaphore(%arg21 : memref<!tpu.dma_semaphore, #tpu.memory_space<semaphore_mem>>)
    %mul3A_145 = arith.constant 256 : i32
    %mul3A_146 = arith.muli %arg1, %mul3A_145 : i32
    %add3A_147 = arith.constant 128 : i32
    %add3A_148 = arith.addi %mul3A_146, %add3A_147 : i32
    %dma_start3A_149 = arith.constant 0 : i32
    %dma_start3A_150 = tpu.memref_slice %arg17[%add3A_148, %dma_start3A_149] : memref<4096x48xf32, #tpu.memory_space<vmem_shared>> -> memref<64x48xf32, #tpu.memory_space<vmem_shared>>
    %dma_start3A_151 = arith.constant 0 : i32
    %dma_start3A_152 = tpu.memref_slice %arg17[%add3A_148, %dma_start3A_151] : memref<4096x48xf32, #tpu.memory_space<vmem_shared>> -> memref<64x48xf32, #tpu.memory_space<vmem_shared>>
    tpu.enqueue_dma source(%arg13 : memref<64x48xf32, #tpu.memory_space<vmem>>) target(%dma_start3A_152 : memref<64x48xf32, #tpu.memory_space<vmem_shared>>) target_semaphore(%arg21 : memref<!tpu.dma_semaphore, #tpu.memory_space<semaphore_mem>>)
    %mul3A_153 = arith.constant 256 : i32
    %mul3A_154 = arith.muli %arg1, %mul3A_153 : i32
    %add3A_155 = arith.constant 192 : i32
    %add3A_156 = arith.addi %mul3A_154, %add3A_155 : i32
    %dma_start3A_157 = arith.constant 0 : i32
    %dma_start3A_158 = tpu.memref_slice %arg17[%add3A_156, %dma_start3A_157] : memref<4096x48xf32, #tpu.memory_space<vmem_shared>> -> memref<64x48xf32, #tpu.memory_space<vmem_shared>>
    %dma_start3A_159 = arith.constant 0 : i32
    %dma_start3A_160 = tpu.memref_slice %arg17[%add3A_156, %dma_start3A_159] : memref<4096x48xf32, #tpu.memory_space<vmem_shared>> -> memref<64x48xf32, #tpu.memory_space<vmem_shared>>
    tpu.enqueue_dma source(%arg13 : memref<64x48xf32, #tpu.memory_space<vmem>>) target(%dma_start3A_160 : memref<64x48xf32, #tpu.memory_space<vmem_shared>>) target_semaphore(%arg21 : memref<!tpu.dma_semaphore, #tpu.memory_space<semaphore_mem>>)
    %dma_wait3A_161 = arith.constant 0 : i32
    %dma_wait3A_162 = tpu.memref_slice %arg3[%mul3A_2, %dma_wait3A_161] : memref<8192x128xf32, #tpu.memory_space<hbm>> -> memref<256x128xf32, #tpu.memory_space<hbm>>
    %dma_wait3A_163 = arith.constant 0 : i32
    %dma_wait3A_164 = tpu.memref_slice %arg3[%mul3A_2, %dma_wait3A_163] : memref<8192x128xf32, #tpu.memory_space<hbm>> -> memref<256x128xf32, #tpu.memory_space<hbm>>
    tpu.wait_dma2 semaphore(%arg19 : memref<!tpu.dma_semaphore, #tpu.memory_space<semaphore_mem>>) src(%dma_wait3A_164 : memref<256x128xf32, #tpu.memory_space<hbm>>) dst(%arg9 : memref<256x128xf32, #tpu.memory_space<vmem>>)
    %dma_wait3A_165 = arith.constant 0 : i32
    %dma_wait3A_166 = arith.constant 0 : i32
    %dma_wait3A_167 = arith.constant 0 : i32
    %dma_wait3A_168 = tpu.memref_slice %arg8[%dma_wait3A_166, %dma_wait3A_167] : memref<512x32xf32, #tpu.memory_space<vmem>> -> memref<128x32xf32, #tpu.memory_space<vmem>>
    %dma_wait3A_169 = arith.constant 0 : i32
    %dma_wait3A_170 = tpu.memref_slice %arg7[%dma_wait3A_165, %dma_wait3A_169] : memref<4x128xi32, #tpu.memory_space<vmem>> -> memref<1x128xi32, #tpu.memory_space<vmem>>
    %dma_wait3A_171 = tpu.memref_squeeze %dma_wait3A_170 : memref<1x128xi32, #tpu.memory_space<vmem>> -> memref<128xi32, #tpu.memory_space<vmem>>
    %dma_wait3A_172 = arith.constant 0 : i32
    %dma_wait3A_173 = arith.constant 0 : i32
    %dma_wait3A_174 = tpu.memref_slice %arg2[%dma_wait3A_172, %dma_wait3A_173] : memref<4096x32xf32, #tpu.memory_space<hbm>> -> memref<4096x32xf32, #tpu.memory_space<hbm>>
    tpu.wait_indirect_dma semaphore(%arg20 : memref<!tpu.dma_semaphore, #tpu.memory_space<semaphore_mem>>) src(%dma_wait3A_174 : memref<4096x32xf32, #tpu.memory_space<hbm>>) dst(%dma_wait3A_168 : memref<128x32xf32, #tpu.memory_space<vmem>>)
    %dma_wait3A_175 = arith.constant 1 : i32
    %dma_wait3A_176 = arith.constant 128 : i32
    %dma_wait3A_177 = arith.constant 0 : i32
    %dma_wait3A_178 = tpu.memref_slice %arg8[%dma_wait3A_176, %dma_wait3A_177] : memref<512x32xf32, #tpu.memory_space<vmem>> -> memref<128x32xf32, #tpu.memory_space<vmem>>
    %dma_wait3A_179 = arith.constant 0 : i32
    %dma_wait3A_180 = tpu.memref_slice %arg7[%dma_wait3A_175, %dma_wait3A_179] : memref<4x128xi32, #tpu.memory_space<vmem>> -> memref<1x128xi32, #tpu.memory_space<vmem>>
    %dma_wait3A_181 = tpu.memref_squeeze %dma_wait3A_180 : memref<1x128xi32, #tpu.memory_space<vmem>> -> memref<128xi32, #tpu.memory_space<vmem>>
    %dma_wait3A_182 = arith.constant 0 : i32
    %dma_wait3A_183 = arith.constant 0 : i32
    %dma_wait3A_184 = tpu.memref_slice %arg2[%dma_wait3A_182, %dma_wait3A_183] : memref<4096x32xf32, #tpu.memory_space<hbm>> -> memref<4096x32xf32, #tpu.memory_space<hbm>>
    tpu.wait_indirect_dma semaphore(%arg20 : memref<!tpu.dma_semaphore, #tpu.memory_space<semaphore_mem>>) src(%dma_wait3A_184 : memref<4096x32xf32, #tpu.memory_space<hbm>>) dst(%dma_wait3A_178 : memref<128x32xf32, #tpu.memory_space<vmem>>)
    %dma_wait3A_185 = arith.constant 2 : i32
    %dma_wait3A_186 = arith.constant 256 : i32
    %dma_wait3A_187 = arith.constant 0 : i32
    %dma_wait3A_188 = tpu.memref_slice %arg8[%dma_wait3A_186, %dma_wait3A_187] : memref<512x32xf32, #tpu.memory_space<vmem>> -> memref<128x32xf32, #tpu.memory_space<vmem>>
    %dma_wait3A_189 = arith.constant 0 : i32
    %dma_wait3A_190 = tpu.memref_slice %arg7[%dma_wait3A_185, %dma_wait3A_189] : memref<4x128xi32, #tpu.memory_space<vmem>> -> memref<1x128xi32, #tpu.memory_space<vmem>>
    %dma_wait3A_191 = tpu.memref_squeeze %dma_wait3A_190 : memref<1x128xi32, #tpu.memory_space<vmem>> -> memref<128xi32, #tpu.memory_space<vmem>>
    %dma_wait3A_192 = arith.constant 0 : i32
    %dma_wait3A_193 = arith.constant 0 : i32
    %dma_wait3A_194 = tpu.memref_slice %arg2[%dma_wait3A_192, %dma_wait3A_193] : memref<4096x32xf32, #tpu.memory_space<hbm>> -> memref<4096x32xf32, #tpu.memory_space<hbm>>
    tpu.wait_indirect_dma semaphore(%arg20 : memref<!tpu.dma_semaphore, #tpu.memory_space<semaphore_mem>>) src(%dma_wait3A_194 : memref<4096x32xf32, #tpu.memory_space<hbm>>) dst(%dma_wait3A_188 : memref<128x32xf32, #tpu.memory_space<vmem>>)
    %dma_wait3A_195 = arith.constant 3 : i32
    %dma_wait3A_196 = arith.constant 384 : i32
    %dma_wait3A_197 = arith.constant 0 : i32
    %dma_wait3A_198 = tpu.memref_slice %arg8[%dma_wait3A_196, %dma_wait3A_197] : memref<512x32xf32, #tpu.memory_space<vmem>> -> memref<128x32xf32, #tpu.memory_space<vmem>>
    %dma_wait3A_199 = arith.constant 0 : i32
    %dma_wait3A_200 = tpu.memref_slice %arg7[%dma_wait3A_195, %dma_wait3A_199] : memref<4x128xi32, #tpu.memory_space<vmem>> -> memref<1x128xi32, #tpu.memory_space<vmem>>
    %dma_wait3A_201 = tpu.memref_squeeze %dma_wait3A_200 : memref<1x128xi32, #tpu.memory_space<vmem>> -> memref<128xi32, #tpu.memory_space<vmem>>
    %dma_wait3A_202 = arith.constant 0 : i32
    %dma_wait3A_203 = arith.constant 0 : i32
    %dma_wait3A_204 = tpu.memref_slice %arg2[%dma_wait3A_202, %dma_wait3A_203] : memref<4096x32xf32, #tpu.memory_space<hbm>> -> memref<4096x32xf32, #tpu.memory_space<hbm>>
    tpu.wait_indirect_dma semaphore(%arg20 : memref<!tpu.dma_semaphore, #tpu.memory_space<semaphore_mem>>) src(%dma_wait3A_204 : memref<4096x32xf32, #tpu.memory_space<hbm>>) dst(%dma_wait3A_198 : memref<128x32xf32, #tpu.memory_space<vmem>>)
    %iota3A = tpu.iota {dimensions = array<i32: 0>} : vector<16xi32>
    %eq3A = arith.constant 15 : i32
    %eq3A_205 = vector.broadcast %eq3A : i32 to vector<16xi32>
    %eq3A_206 = arith.cmpi eq, %iota3A, %eq3A_205 : vector<16xi32>
    %parallel_loop3A = arith.constant 0 : i32
    %parallel_loop3A_207 = arith.constant 512 : i32
    %parallel_loop3A_208 = arith.constant 1 : i32
    scf.for %parallel_loop3A_357 = %parallel_loop3A to %parallel_loop3A_207 step %parallel_loop3A_208  : i32 {
      %parallel_loop3A_358 = arith.constant 255 : i32
      %parallel_loop3A_359 = arith.andi %parallel_loop3A_357, %parallel_loop3A_358 : i32
      %parallel_loop3A_360 = arith.constant 8 : i32
      %parallel_loop3A_361 = arith.shrsi %parallel_loop3A_357, %parallel_loop3A_360 : i32
      %parallel_loop3A_362 = arith.constant 64 : i32
      %parallel_loop3A_363 = arith.muli %parallel_loop3A_361, %parallel_loop3A_362 : i32
      %parallel_loop3A_364 = arith.index_cast %parallel_loop3A_357 : i32 to index
      %parallel_loop3A_365 = arith.constant 0 : index
      %parallel_loop3A_366 = tpu.vector_load %arg8[%parallel_loop3A_364, %parallel_loop3A_365] {strides = array<i32>} : memref<512x32xf32, #tpu.memory_space<vmem>>, vector<16xf32>,
      %parallel_loop3A_367 = arith.index_cast %parallel_loop3A_359 : i32 to index
      %parallel_loop3A_368 = arith.index_cast %parallel_loop3A_363 : i32 to index
      %parallel_loop3A_369 = tpu.vector_load %arg9[%parallel_loop3A_367, %parallel_loop3A_368] {strides = array<i32>} : memref<256x128xf32, #tpu.memory_space<vmem>>, vector<16xf32>,
      %parallel_loop3A_370 = arith.mulf %parallel_loop3A_366, %parallel_loop3A_369 : vector<16xf32>
      %parallel_loop3A_371 = arith.index_cast %parallel_loop3A_357 : i32 to index
      %parallel_loop3A_372 = arith.constant 16 : index
      %parallel_loop3A_373 = tpu.vector_load %arg8[%parallel_loop3A_371, %parallel_loop3A_372] {strides = array<i32>} : memref<512x32xf32, #tpu.memory_space<vmem>>, vector<16xf32>,
      %parallel_loop3A_374 = arith.constant 16 : i32
      %parallel_loop3A_375 = arith.addi %parallel_loop3A_363, %parallel_loop3A_374 : i32
      %parallel_loop3A_376 = arith.index_cast %parallel_loop3A_359 : i32 to index
      %parallel_loop3A_377 = arith.index_cast %parallel_loop3A_375 : i32 to index
      %parallel_loop3A_378 = tpu.vector_load %arg9[%parallel_loop3A_376, %parallel_loop3A_377] {strides = array<i32>} : memref<256x128xf32, #tpu.memory_space<vmem>>, vector<16xf32>,
      %parallel_loop3A_379 = arith.mulf %parallel_loop3A_373, %parallel_loop3A_378 : vector<16xf32>
      %parallel_loop3A_380 = arith.addf %parallel_loop3A_370, %parallel_loop3A_379 : vector<16xf32>
      %parallel_loop3A_381 = arith.constant true
      %parallel_loop3A_382 = vector.broadcast %parallel_loop3A_381 : i1 to vector<16xi1>
      %parallel_loop3A_383 = tpu.scan <sum>, %parallel_loop3A_380 masked %parallel_loop3A_382 : vector<16xf32>, vector<16xi1> -> vector<16xf32>
      %parallel_loop3A_384 = arith.constant 0.176776692 : f32
      %parallel_loop3A_385 = vector.broadcast %parallel_loop3A_384 : f32 to vector<16xf32>
      %parallel_loop3A_386 = arith.mulf %parallel_loop3A_383, %parallel_loop3A_385 : vector<16xf32>
      %parallel_loop3A_387 = vector.broadcast %parallel_loop3A_357 : i32 to vector<16xi32>
      tpu.vector_store_idx %arg10[%parallel_loop3A_387], %parallel_loop3A_386 masked %eq3A_206 : memref<512xf32, #tpu.memory_space<vmem>>[vector<16xi32>], vector<16xf32>, vector<16xi1>
    } {sc.loop_unroll_factor = 4 : i64, sc.parallel_access}
    %get3A = arith.constant 0 : index
    %get3A_209 = tpu.vector_load %arg10[%get3A] {strides = array<i32>} : memref<512xf32, #tpu.memory_space<vmem>>, vector<16xf32>,
    %scan3A_210 = arith.constant 1 : i32
    %scan3A_211 = arith.constant 31 : i32
    %scan3A_212 = arith.addi %scan3A_210, %scan3A_211 : i32
    %scan3A_213 = arith.constant 1 : i32
    %scan3A_214 = scf.for %scan3A_357 = %scan3A_210 to %scan3A_212 step %scan3A_213 iter_args(%scan3A_358 = %get3A_209) -> (vector<16xf32>)  : i32 {
      %mul3A_359 = arith.constant 16 : i32
      %mul3A_360 = arith.muli %scan3A_357, %mul3A_359 : i32
      %get3A_361 = arith.index_cast %mul3A_360 : i32 to index
      %get3A_362 = tpu.vector_load %arg10[%get3A_361] {strides = array<i32>} : memref<512xf32, #tpu.memory_space<vmem>>, vector<16xf32>,
      %max3A = arith.maximumf %scan3A_358, %get3A_362 : vector<16xf32>
      scf.yield %max3A : vector<16xf32>
    }
    %scan3A_215 = arith.constant 31 : i32
    %reduce_max3A = arith.constant true
    %reduce_max3A_216 = vector.broadcast %reduce_max3A : i1 to vector<16xi1>
    %reduce_max3A_217 = tpu.scan <max>, %scan3A_214 masked %reduce_max3A_216 : vector<16xf32>, vector<16xi1> -> vector<16xf32>
    %reduce_max3A_218 = vector.extract %reduce_max3A_217[15] : f32 from vector<16xf32>
    %broadcast_in_dim3A_219 = vector.broadcast %reduce_max3A_218 : f32 to vector<16xf32>
    %swap3A = arith.constant 0 : index
    %swap3A_220 = tpu.vector_load %arg14[%swap3A] {strides = array<i32>} : memref<16xf32, #tpu.memory_space<vmem>>, vector<16xf32>,
    tpu.vector_store %arg14[%swap3A], %broadcast_in_dim3A_219 {strides = array<i32>} : memref<16xf32, #tpu.memory_space<vmem>>, vector<16xf32>,
    "tpu.region"() ({
      %run_scoped3A = tpu.sem_alloc : memref<!tpu.dma_semaphore, #tpu.memory_space<semaphore_mem>>
      %dma_start3A_357 = arith.constant 0 : i32
      %dma_start3A_358 = tpu.memref_slice %arg16[%arg1, %dma_start3A_357] : memref<16x16xf32, #tpu.memory_space<vmem_shared>> -> memref<1x16xf32, #tpu.memory_space<vmem_shared>>
      %dma_start3A_359 = tpu.memref_squeeze %dma_start3A_358 : memref<1x16xf32, #tpu.memory_space<vmem_shared>> -> memref<16xf32, #tpu.memory_space<vmem_shared>>
      %dma_start3A_360 = arith.constant 0 : i32
      %dma_start3A_361 = tpu.memref_slice %arg16[%arg1, %dma_start3A_360] : memref<16x16xf32, #tpu.memory_space<vmem_shared>> -> memref<1x16xf32, #tpu.memory_space<vmem_shared>>
      %dma_start3A_362 = tpu.memref_squeeze %dma_start3A_361 : memref<1x16xf32, #tpu.memory_space<vmem_shared>> -> memref<16xf32, #tpu.memory_space<vmem_shared>>
      tpu.enqueue_dma source(%arg14 : memref<16xf32, #tpu.memory_space<vmem>>) target(%dma_start3A_362 : memref<16xf32, #tpu.memory_space<vmem_shared>>) target_semaphore(%run_scoped3A : memref<!tpu.dma_semaphore, #tpu.memory_space<semaphore_mem>>)
      %dma_wait3A_363 = arith.constant 0 : i32
      %dma_wait3A_364 = tpu.memref_slice %arg16[%arg1, %dma_wait3A_363] : memref<16x16xf32, #tpu.memory_space<vmem_shared>> -> memref<1x16xf32, #tpu.memory_space<vmem_shared>>
      %dma_wait3A_365 = tpu.memref_squeeze %dma_wait3A_364 : memref<1x16xf32, #tpu.memory_space<vmem_shared>> -> memref<16xf32, #tpu.memory_space<vmem_shared>>
      %dma_wait3A_366 = arith.constant 0 : i32
      %dma_wait3A_367 = tpu.memref_slice %arg16[%arg1, %dma_wait3A_366] : memref<16x16xf32, #tpu.memory_space<vmem_shared>> -> memref<1x16xf32, #tpu.memory_space<vmem_shared>>
      %dma_wait3A_368 = tpu.memref_squeeze %dma_wait3A_367 : memref<1x16xf32, #tpu.memory_space<vmem_shared>> -> memref<16xf32, #tpu.memory_space<vmem_shared>>
      tpu.wait_dma2 semaphore(%run_scoped3A : memref<!tpu.dma_semaphore, #tpu.memory_space<semaphore_mem>>) src(%arg14 : memref<16xf32, #tpu.memory_space<vmem>>) dst(%dma_wait3A_368 : memref<16xf32, #tpu.memory_space<vmem_shared>>)
      tpu.yield
    }) : () -> ()
    %barrier3A = arith.constant 0 : index
    tpu.barrier barrier_id(%barrier3A)
    "tpu.region"() ({
      %run_scoped3A = tpu.sem_alloc : memref<!tpu.dma_semaphore, #tpu.memory_space<semaphore_mem>>
      tpu.enqueue_dma source(%arg16 : memref<16x16xf32, #tpu.memory_space<vmem_shared>>) target(%arg15 : memref<16x16xf32, #tpu.memory_space<vmem>>) target_semaphore(%run_scoped3A : memref<!tpu.dma_semaphore, #tpu.memory_space<semaphore_mem>>)
      tpu.wait_dma2 semaphore(%run_scoped3A : memref<!tpu.dma_semaphore, #tpu.memory_space<semaphore_mem>>) src(%arg16 : memref<16x16xf32, #tpu.memory_space<vmem_shared>>) dst(%arg15 : memref<16x16xf32, #tpu.memory_space<vmem>>)
      tpu.yield
    }) : () -> ()
    %get3A_221 = arith.constant 0 : i32
    %get3A_222 = arith.index_cast %get3A_221 : i32 to index
    %get3A_223 = arith.constant 0 : index
    %get3A_224 = tpu.vector_load %arg15[%get3A_222, %get3A_223] {strides = array<i32>} : memref<16x16xf32, #tpu.memory_space<vmem>>, vector<16xf32>,
    %scan3A_225 = arith.constant 1 : i32
    %scan3A_226 = arith.constant 15 : i32
    %scan3A_227 = arith.addi %scan3A_225, %scan3A_226 : i32
    %scan3A_228 = arith.constant 1 : i32
    %scan3A_229 = scf.for %scan3A_357 = %scan3A_225 to %scan3A_227 step %scan3A_228 iter_args(%scan3A_358 = %get3A_224) -> (vector<16xf32>)  : i32 {
      %get3A_359 = arith.index_cast %scan3A_357 : i32 to index
      %get3A_360 = arith.constant 0 : index
      %get3A_361 = tpu.vector_load %arg15[%get3A_359, %get3A_360] {strides = array<i32>} : memref<16x16xf32, #tpu.memory_space<vmem>>, vector<16xf32>,
      %max3A = arith.maximumf %scan3A_358, %get3A_361 : vector<16xf32>
      scf.yield %max3A : vector<16xf32>
    }
    %scan3A_230 = arith.constant 15 : i32
    %eq3A_231 = arith.constant 0 : i32
    %eq3A_232 = arith.cmpi eq, %arg1, %eq3A_231 : i32
    %convert_element_type3A = arith.extui %eq3A_232 : i1 to i32
    %cond3A = arith.constant 0 : i32
    %cond3A_233 = arith.cmpi ne, %convert_element_type3A, %cond3A : i32
    scf.if %cond3A_233 {
      %swap3A_357 = arith.constant 0 : index
      %swap3A_358 = tpu.vector_load %arg14[%swap3A_357] {strides = array<i32>} : memref<16xf32, #tpu.memory_space<vmem>>, vector<16xf32>,
      tpu.vector_store %arg14[%swap3A_357], %scan3A_229 {strides = array<i32>} : memref<16xf32, #tpu.memory_space<vmem>>, vector<16xf32>,
      "tpu.region"() ({
        %run_scoped3A = tpu.sem_alloc : memref<!tpu.dma_semaphore, #tpu.memory_space<semaphore_mem>>
        %dma_start3A_359 = arith.constant 0 : i32
        %dma_start3A_360 = tpu.memref_slice %arg6[%arg0, %dma_start3A_359] : memref<8x128xf32, #tpu.memory_space<hbm>> -> memref<1x16xf32, #tpu.memory_space<hbm>>
        %dma_start3A_361 = tpu.memref_squeeze %dma_start3A_360 : memref<1x16xf32, #tpu.memory_space<hbm>> -> memref<16xf32, #tpu.memory_space<hbm>>
        %dma_start3A_362 = arith.constant 0 : i32
        %dma_start3A_363 = tpu.memref_slice %arg6[%arg0, %dma_start3A_362] : memref<8x128xf32, #tpu.memory_space<hbm>> -> memref<1x16xf32, #tpu.memory_space<hbm>>
        %dma_start3A_364 = tpu.memref_squeeze %dma_start3A_363 : memref<1x16xf32, #tpu.memory_space<hbm>> -> memref<16xf32, #tpu.memory_space<hbm>>
        tpu.enqueue_dma source(%arg14 : memref<16xf32, #tpu.memory_space<vmem>>) target(%dma_start3A_364 : memref<16xf32, #tpu.memory_space<hbm>>) target_semaphore(%run_scoped3A : memref<!tpu.dma_semaphore, #tpu.memory_space<semaphore_mem>>)
        %dma_wait3A_365 = arith.constant 0 : i32
        %dma_wait3A_366 = tpu.memref_slice %arg6[%arg0, %dma_wait3A_365] : memref<8x128xf32, #tpu.memory_space<hbm>> -> memref<1x16xf32, #tpu.memory_space<hbm>>
        %dma_wait3A_367 = tpu.memref_squeeze %dma_wait3A_366 : memref<1x16xf32, #tpu.memory_space<hbm>> -> memref<16xf32, #tpu.memory_space<hbm>>
        %dma_wait3A_368 = arith.constant 0 : i32
        %dma_wait3A_369 = tpu.memref_slice %arg6[%arg0, %dma_wait3A_368] : memref<8x128xf32, #tpu.memory_space<hbm>> -> memref<1x16xf32, #tpu.memory_space<hbm>>
        %dma_wait3A_370 = tpu.memref_squeeze %dma_wait3A_369 : memref<1x16xf32, #tpu.memory_space<hbm>> -> memref<16xf32, #tpu.memory_space<hbm>>
        tpu.wait_dma2 semaphore(%run_scoped3A : memref<!tpu.dma_semaphore, #tpu.memory_space<semaphore_mem>>) src(%arg14 : memref<16xf32, #tpu.memory_space<vmem>>) dst(%dma_wait3A_370 : memref<16xf32, #tpu.memory_space<hbm>>)
        tpu.yield
      }) : () -> ()
    } else {
    }
    %parallel_loop3A_234 = arith.constant 0 : i32
    %parallel_loop3A_235 = arith.constant 32 : i32
    %parallel_loop3A_236 = arith.constant 1 : i32
    scf.for %parallel_loop3A_357 = %parallel_loop3A_234 to %parallel_loop3A_235 step %parallel_loop3A_236  : i32 {
      %parallel_loop3A_358 = arith.constant 16 : i32
      %parallel_loop3A_359 = arith.muli %parallel_loop3A_357, %parallel_loop3A_358 : i32
      %parallel_loop3A_360 = arith.index_cast %parallel_loop3A_359 : i32 to index
      %parallel_loop3A_361 = tpu.vector_load %arg10[%parallel_loop3A_360] {strides = array<i32>} : memref<512xf32, #tpu.memory_space<vmem>>, vector<16xf32>,
      %parallel_loop3A_362 = arith.subf %parallel_loop3A_361, %scan3A_229 : vector<16xf32>
      %parallel_loop3A_363 = math.exp %parallel_loop3A_362 : vector<16xf32>
      %parallel_loop3A_364 = arith.constant 16 : i32
      %parallel_loop3A_365 = arith.muli %parallel_loop3A_357, %parallel_loop3A_364 : i32
      %parallel_loop3A_366 = arith.index_cast %parallel_loop3A_365 : i32 to index
      %parallel_loop3A_367 = tpu.vector_load %arg11[%parallel_loop3A_366] {strides = array<i32>} : memref<512xf32, #tpu.memory_space<vmem>>, vector<16xf32>,
      tpu.vector_store %arg11[%parallel_loop3A_366], %parallel_loop3A_363 {strides = array<i32>} : memref<512xf32, #tpu.memory_space<vmem>>, vector<16xf32>,
    } {sc.loop_unroll_factor = 2 : i64, sc.parallel_access}
    %dma_wait3A_237 = arith.constant 0 : i32
    %dma_wait3A_238 = tpu.memref_slice %arg17[%add3A_132, %dma_wait3A_237] : memref<4096x48xf32, #tpu.memory_space<vmem_shared>> -> memref<64x48xf32, #tpu.memory_space<vmem_shared>>
    %dma_wait3A_239 = arith.constant 0 : i32
    %dma_wait3A_240 = tpu.memref_slice %arg17[%add3A_132, %dma_wait3A_239] : memref<4096x48xf32, #tpu.memory_space<vmem_shared>> -> memref<64x48xf32, #tpu.memory_space<vmem_shared>>
    tpu.wait_dma2 semaphore(%arg21 : memref<!tpu.dma_semaphore, #tpu.memory_space<semaphore_mem>>) src(%arg13 : memref<64x48xf32, #tpu.memory_space<vmem>>) dst(%dma_wait3A_240 : memref<64x48xf32, #tpu.memory_space<vmem_shared>>)
    %dma_wait3A_241 = arith.constant 0 : i32
    %dma_wait3A_242 = tpu.memref_slice %arg17[%add3A_140, %dma_wait3A_241] : memref<4096x48xf32, #tpu.memory_space<vmem_shared>> -> memref<64x48xf32, #tpu.memory_space<vmem_shared>>
    %dma_wait3A_243 = arith.constant 0 : i32
    %dma_wait3A_244 = tpu.memref_slice %arg17[%add3A_140, %dma_wait3A_243] : memref<4096x48xf32, #tpu.memory_space<vmem_shared>> -> memref<64x48xf32, #tpu.memory_space<vmem_shared>>
    tpu.wait_dma2 semaphore(%arg21 : memref<!tpu.dma_semaphore, #tpu.memory_space<semaphore_mem>>) src(%arg13 : memref<64x48xf32, #tpu.memory_space<vmem>>) dst(%dma_wait3A_244 : memref<64x48xf32, #tpu.memory_space<vmem_shared>>)
    %dma_wait3A_245 = arith.constant 0 : i32
    %dma_wait3A_246 = tpu.memref_slice %arg17[%add3A_148, %dma_wait3A_245] : memref<4096x48xf32, #tpu.memory_space<vmem_shared>> -> memref<64x48xf32, #tpu.memory_space<vmem_shared>>
    %dma_wait3A_247 = arith.constant 0 : i32
    %dma_wait3A_248 = tpu.memref_slice %arg17[%add3A_148, %dma_wait3A_247] : memref<4096x48xf32, #tpu.memory_space<vmem_shared>> -> memref<64x48xf32, #tpu.memory_space<vmem_shared>>
    tpu.wait_dma2 semaphore(%arg21 : memref<!tpu.dma_semaphore, #tpu.memory_space<semaphore_mem>>) src(%arg13 : memref<64x48xf32, #tpu.memory_space<vmem>>) dst(%dma_wait3A_248 : memref<64x48xf32, #tpu.memory_space<vmem_shared>>)
    %dma_wait3A_249 = arith.constant 0 : i32
    %dma_wait3A_250 = tpu.memref_slice %arg17[%add3A_156, %dma_wait3A_249] : memref<4096x48xf32, #tpu.memory_space<vmem_shared>> -> memref<64x48xf32, #tpu.memory_space<vmem_shared>>
    %dma_wait3A_251 = arith.constant 0 : i32
    %dma_wait3A_252 = tpu.memref_slice %arg17[%add3A_156, %dma_wait3A_251] : memref<4096x48xf32, #tpu.memory_space<vmem_shared>> -> memref<64x48xf32, #tpu.memory_space<vmem_shared>>
    tpu.wait_dma2 semaphore(%arg21 : memref<!tpu.dma_semaphore, #tpu.memory_space<semaphore_mem>>) src(%arg13 : memref<64x48xf32, #tpu.memory_space<vmem>>) dst(%dma_wait3A_252 : memref<64x48xf32, #tpu.memory_space<vmem_shared>>)
    %barrier3A_253 = arith.constant 0 : index
    tpu.barrier barrier_id(%barrier3A_253)
    %parallel_loop3A_254 = arith.constant 0 : i32
    %parallel_loop3A_255 = arith.constant 128 : i32
    %parallel_loop3A_256 = arith.constant 1 : i32
    scf.for %parallel_loop3A_357 = %parallel_loop3A_254 to %parallel_loop3A_255 step %parallel_loop3A_256  : i32 {
      %parallel_loop3A_358 = arith.constant 255 : i32
      %parallel_loop3A_359 = arith.andi %parallel_loop3A_357, %parallel_loop3A_358 : i32
      %parallel_loop3A_360 = arith.constant 8 : i32
      %parallel_loop3A_361 = arith.shrsi %parallel_loop3A_357, %parallel_loop3A_360 : i32
      %parallel_loop3A_362 = arith.constant 64 : i32
      %parallel_loop3A_363 = arith.muli %parallel_loop3A_361, %parallel_loop3A_362 : i32
      %parallel_loop3A_364 = arith.constant 32 : i32
      %parallel_loop3A_365 = arith.addi %parallel_loop3A_363, %parallel_loop3A_364 : i32
      %parallel_loop3A_366 = vector.broadcast %parallel_loop3A_357 : i32 to vector<16xi32>
      %parallel_loop3A_367 = tpu.vector_load_idx %arg11[%parallel_loop3A_366] : memref<512xf32, #tpu.memory_space<vmem>>[vector<16xi32>], vector<16xf32>,
      %parallel_loop3A_368 = arith.index_cast %parallel_loop3A_359 : i32 to index
      %parallel_loop3A_369 = arith.index_cast %parallel_loop3A_365 : i32 to index
      %parallel_loop3A_370 = tpu.vector_load %arg9[%parallel_loop3A_368, %parallel_loop3A_369] {strides = array<i32>} : memref<256x128xf32, #tpu.memory_space<vmem>>, vector<16xf32>,
      %parallel_loop3A_371 = arith.mulf %parallel_loop3A_367, %parallel_loop3A_370 : vector<16xf32>
      %parallel_loop3A_372 = arith.index_cast %parallel_loop3A_357 : i32 to index
      %parallel_loop3A_373 = arith.constant 0 : index
      %parallel_loop3A_374 = tpu.vector_load %arg12[%parallel_loop3A_372, %parallel_loop3A_373] {strides = array<i32>} : memref<512x48xf32, #tpu.memory_space<vmem>>, vector<16xf32>,
      tpu.vector_store %arg12[%parallel_loop3A_372, %parallel_loop3A_373], %parallel_loop3A_371 {strides = array<i32>} : memref<512x48xf32, #tpu.memory_space<vmem>>, vector<16xf32>,
      %parallel_loop3A_375 = arith.constant 16 : i32
      %parallel_loop3A_376 = arith.addi %parallel_loop3A_365, %parallel_loop3A_375 : i32
      %parallel_loop3A_377 = arith.index_cast %parallel_loop3A_359 : i32 to index
      %parallel_loop3A_378 = arith.index_cast %parallel_loop3A_376 : i32 to index
      %parallel_loop3A_379 = tpu.vector_load %arg9[%parallel_loop3A_377, %parallel_loop3A_378] {strides = array<i32>} : memref<256x128xf32, #tpu.memory_space<vmem>>, vector<16xf32>,
      %parallel_loop3A_380 = arith.mulf %parallel_loop3A_367, %parallel_loop3A_379 : vector<16xf32>
      %parallel_loop3A_381 = arith.index_cast %parallel_loop3A_357 : i32 to index
      %parallel_loop3A_382 = arith.constant 16 : index
      %parallel_loop3A_383 = tpu.vector_load %arg12[%parallel_loop3A_381, %parallel_loop3A_382] {strides = array<i32>} : memref<512x48xf32, #tpu.memory_space<vmem>>, vector<16xf32>,
      tpu.vector_store %arg12[%parallel_loop3A_381, %parallel_loop3A_382], %parallel_loop3A_380 {strides = array<i32>} : memref<512x48xf32, #tpu.memory_space<vmem>>, vector<16xf32>,
      %parallel_loop3A_384 = arith.index_cast %parallel_loop3A_357 : i32 to index
      %parallel_loop3A_385 = arith.constant 32 : index
      %parallel_loop3A_386 = tpu.vector_load %arg12[%parallel_loop3A_384, %parallel_loop3A_385] {strides = array<i32>} : memref<512x48xf32, #tpu.memory_space<vmem>>, vector<16xf32>,
      tpu.vector_store %arg12[%parallel_loop3A_384, %parallel_loop3A_385], %parallel_loop3A_367 {strides = array<i32>} : memref<512x48xf32, #tpu.memory_space<vmem>>, vector<16xf32>,
    } {sc.loop_unroll_factor = 4 : i64, sc.parallel_access}
    %dma_start3A_257 = arith.constant 0 : i32
    %dma_start3A_258 = arith.constant 0 : i32
    %dma_start3A_259 = arith.constant 0 : i32
    %dma_start3A_260 = tpu.memref_slice %arg12[%dma_start3A_258, %dma_start3A_259] : memref<512x48xf32, #tpu.memory_space<vmem>> -> memref<128x48xf32, #tpu.memory_space<vmem>>
    %dma_start3A_261 = arith.constant 0 : i32
    %dma_start3A_262 = tpu.memref_slice %arg7[%dma_start3A_257, %dma_start3A_261] : memref<4x128xi32, #tpu.memory_space<vmem>> -> memref<1x128xi32, #tpu.memory_space<vmem>>
    %dma_start3A_263 = tpu.memref_squeeze %dma_start3A_262 : memref<1x128xi32, #tpu.memory_space<vmem>> -> memref<128xi32, #tpu.memory_space<vmem>>
    %dma_start3A_264 = arith.constant 0 : i32
    %dma_start3A_265 = arith.constant 0 : i32
    %dma_start3A_266 = tpu.memref_slice %arg17[%dma_start3A_264, %dma_start3A_265] : memref<4096x48xf32, #tpu.memory_space<vmem_shared>> -> memref<4096x48xf32, #tpu.memory_space<vmem_shared>>
    tpu.enqueue_indirect_dma source(%dma_start3A_260 : memref<128x48xf32, #tpu.memory_space<vmem>>) target(%dma_start3A_266 : memref<4096x48xf32, #tpu.memory_space<vmem_shared>>) offsets(%dma_start3A_263 : memref<128xi32, #tpu.memory_space<vmem>>) semaphore(%arg21 : memref<!tpu.dma_semaphore, #tpu.memory_space<semaphore_mem>>) {add = true}
    %parallel_loop3A_267 = arith.constant 128 : i32
    %parallel_loop3A_268 = arith.constant 256 : i32
    %parallel_loop3A_269 = arith.constant 1 : i32
    scf.for %parallel_loop3A_357 = %parallel_loop3A_267 to %parallel_loop3A_268 step %parallel_loop3A_269  : i32 {
      %parallel_loop3A_358 = arith.constant 255 : i32
      %parallel_loop3A_359 = arith.andi %parallel_loop3A_357, %parallel_loop3A_358 : i32
      %parallel_loop3A_360 = arith.constant 8 : i32
      %parallel_loop3A_361 = arith.shrsi %parallel_loop3A_357, %parallel_loop3A_360 : i32
      %parallel_loop3A_362 = arith.constant 64 : i32
      %parallel_loop3A_363 = arith.muli %parallel_loop3A_361, %parallel_loop3A_362 : i32
      %parallel_loop3A_364 = arith.constant 32 : i32
      %parallel_loop3A_365 = arith.addi %parallel_loop3A_363, %parallel_loop3A_364 : i32
      %parallel_loop3A_366 = vector.broadcast %parallel_loop3A_357 : i32 to vector<16xi32>
      %parallel_loop3A_367 = tpu.vector_load_idx %arg11[%parallel_loop3A_366] : memref<512xf32, #tpu.memory_space<vmem>>[vector<16xi32>], vector<16xf32>,
      %parallel_loop3A_368 = arith.index_cast %parallel_loop3A_359 : i32 to index
      %parallel_loop3A_369 = arith.index_cast %parallel_loop3A_365 : i32 to index
      %parallel_loop3A_370 = tpu.vector_load %arg9[%parallel_loop3A_368, %parallel_loop3A_369] {strides = array<i32>} : memref<256x128xf32, #tpu.memory_space<vmem>>, vector<16xf32>,
      %parallel_loop3A_371 = arith.mulf %parallel_loop3A_367, %parallel_loop3A_370 : vector<16xf32>
      %parallel_loop3A_372 = arith.index_cast %parallel_loop3A_357 : i32 to index
      %parallel_loop3A_373 = arith.constant 0 : index
      %parallel_loop3A_374 = tpu.vector_load %arg12[%parallel_loop3A_372, %parallel_loop3A_373] {strides = array<i32>} : memref<512x48xf32, #tpu.memory_space<vmem>>, vector<16xf32>,
      tpu.vector_store %arg12[%parallel_loop3A_372, %parallel_loop3A_373], %parallel_loop3A_371 {strides = array<i32>} : memref<512x48xf32, #tpu.memory_space<vmem>>, vector<16xf32>,
      %parallel_loop3A_375 = arith.constant 16 : i32
      %parallel_loop3A_376 = arith.addi %parallel_loop3A_365, %parallel_loop3A_375 : i32
      %parallel_loop3A_377 = arith.index_cast %parallel_loop3A_359 : i32 to index
      %parallel_loop3A_378 = arith.index_cast %parallel_loop3A_376 : i32 to index
      %parallel_loop3A_379 = tpu.vector_load %arg9[%parallel_loop3A_377, %parallel_loop3A_378] {strides = array<i32>} : memref<256x128xf32, #tpu.memory_space<vmem>>, vector<16xf32>,
      %parallel_loop3A_380 = arith.mulf %parallel_loop3A_367, %parallel_loop3A_379 : vector<16xf32>
      %parallel_loop3A_381 = arith.index_cast %parallel_loop3A_357 : i32 to index
      %parallel_loop3A_382 = arith.constant 16 : index
      %parallel_loop3A_383 = tpu.vector_load %arg12[%parallel_loop3A_381, %parallel_loop3A_382] {strides = array<i32>} : memref<512x48xf32, #tpu.memory_space<vmem>>, vector<16xf32>,
      tpu.vector_store %arg12[%parallel_loop3A_381, %parallel_loop3A_382], %parallel_loop3A_380 {strides = array<i32>} : memref<512x48xf32, #tpu.memory_space<vmem>>, vector<16xf32>,
      %parallel_loop3A_384 = arith.index_cast %parallel_loop3A_357 : i32 to index
      %parallel_loop3A_385 = arith.constant 32 : index
      %parallel_loop3A_386 = tpu.vector_load %arg12[%parallel_loop3A_384, %parallel_loop3A_385] {strides = array<i32>} : memref<512x48xf32, #tpu.memory_space<vmem>>, vector<16xf32>,
      tpu.vector_store %arg12[%parallel_loop3A_384, %parallel_loop3A_385], %parallel_loop3A_367 {strides = array<i32>} : memref<512x48xf32, #tpu.memory_space<vmem>>, vector<16xf32>,
    } {sc.loop_unroll_factor = 4 : i64, sc.parallel_access}
    %dma_start3A_270 = arith.constant 1 : i32
    %dma_start3A_271 = arith.constant 128 : i32
    %dma_start3A_272 = arith.constant 0 : i32
    %dma_start3A_273 = tpu.memref_slice %arg12[%dma_start3A_271, %dma_start3A_272] : memref<512x48xf32, #tpu.memory_space<vmem>> -> memref<128x48xf32, #tpu.memory_space<vmem>>
    %dma_start3A_274 = arith.constant 0 : i32
    %dma_start3A_275 = tpu.memref_slice %arg7[%dma_start3A_270, %dma_start3A_274] : memref<4x128xi32, #tpu.memory_space<vmem>> -> memref<1x128xi32, #tpu.memory_space<vmem>>
    %dma_start3A_276 = tpu.memref_squeeze %dma_start3A_275 : memref<1x128xi32, #tpu.memory_space<vmem>> -> memref<128xi32, #tpu.memory_space<vmem>>
    %dma_start3A_277 = arith.constant 0 : i32
    %dma_start3A_278 = arith.constant 0 : i32
    %dma_start3A_279 = tpu.memref_slice %arg17[%dma_start3A_277, %dma_start3A_278] : memref<4096x48xf32, #tpu.memory_space<vmem_shared>> -> memref<4096x48xf32, #tpu.memory_space<vmem_shared>>
    tpu.enqueue_indirect_dma source(%dma_start3A_273 : memref<128x48xf32, #tpu.memory_space<vmem>>) target(%dma_start3A_279 : memref<4096x48xf32, #tpu.memory_space<vmem_shared>>) offsets(%dma_start3A_276 : memref<128xi32, #tpu.memory_space<vmem>>) semaphore(%arg21 : memref<!tpu.dma_semaphore, #tpu.memory_space<semaphore_mem>>) {add = true}
    %parallel_loop3A_280 = arith.constant 256 : i32
    %parallel_loop3A_281 = arith.constant 384 : i32
    %parallel_loop3A_282 = arith.constant 1 : i32
    scf.for %parallel_loop3A_357 = %parallel_loop3A_280 to %parallel_loop3A_281 step %parallel_loop3A_282  : i32 {
      %parallel_loop3A_358 = arith.constant 255 : i32
      %parallel_loop3A_359 = arith.andi %parallel_loop3A_357, %parallel_loop3A_358 : i32
      %parallel_loop3A_360 = arith.constant 8 : i32
      %parallel_loop3A_361 = arith.shrsi %parallel_loop3A_357, %parallel_loop3A_360 : i32
      %parallel_loop3A_362 = arith.constant 64 : i32
      %parallel_loop3A_363 = arith.muli %parallel_loop3A_361, %parallel_loop3A_362 : i32
      %parallel_loop3A_364 = arith.constant 32 : i32
      %parallel_loop3A_365 = arith.addi %parallel_loop3A_363, %parallel_loop3A_364 : i32
      %parallel_loop3A_366 = vector.broadcast %parallel_loop3A_357 : i32 to vector<16xi32>
      %parallel_loop3A_367 = tpu.vector_load_idx %arg11[%parallel_loop3A_366] : memref<512xf32, #tpu.memory_space<vmem>>[vector<16xi32>], vector<16xf32>,
      %parallel_loop3A_368 = arith.index_cast %parallel_loop3A_359 : i32 to index
      %parallel_loop3A_369 = arith.index_cast %parallel_loop3A_365 : i32 to index
      %parallel_loop3A_370 = tpu.vector_load %arg9[%parallel_loop3A_368, %parallel_loop3A_369] {strides = array<i32>} : memref<256x128xf32, #tpu.memory_space<vmem>>, vector<16xf32>,
      %parallel_loop3A_371 = arith.mulf %parallel_loop3A_367, %parallel_loop3A_370 : vector<16xf32>
      %parallel_loop3A_372 = arith.index_cast %parallel_loop3A_357 : i32 to index
      %parallel_loop3A_373 = arith.constant 0 : index
      %parallel_loop3A_374 = tpu.vector_load %arg12[%parallel_loop3A_372, %parallel_loop3A_373] {strides = array<i32>} : memref<512x48xf32, #tpu.memory_space<vmem>>, vector<16xf32>,
      tpu.vector_store %arg12[%parallel_loop3A_372, %parallel_loop3A_373], %parallel_loop3A_371 {strides = array<i32>} : memref<512x48xf32, #tpu.memory_space<vmem>>, vector<16xf32>,
      %parallel_loop3A_375 = arith.constant 16 : i32
      %parallel_loop3A_376 = arith.addi %parallel_loop3A_365, %parallel_loop3A_375 : i32
      %parallel_loop3A_377 = arith.index_cast %parallel_loop3A_359 : i32 to index
      %parallel_loop3A_378 = arith.index_cast %parallel_loop3A_376 : i32 to index
      %parallel_loop3A_379 = tpu.vector_load %arg9[%parallel_loop3A_377, %parallel_loop3A_378] {strides = array<i32>} : memref<256x128xf32, #tpu.memory_space<vmem>>, vector<16xf32>,
      %parallel_loop3A_380 = arith.mulf %parallel_loop3A_367, %parallel_loop3A_379 : vector<16xf32>
      %parallel_loop3A_381 = arith.index_cast %parallel_loop3A_357 : i32 to index
      %parallel_loop3A_382 = arith.constant 16 : index
      %parallel_loop3A_383 = tpu.vector_load %arg12[%parallel_loop3A_381, %parallel_loop3A_382] {strides = array<i32>} : memref<512x48xf32, #tpu.memory_space<vmem>>, vector<16xf32>,
      tpu.vector_store %arg12[%parallel_loop3A_381, %parallel_loop3A_382], %parallel_loop3A_380 {strides = array<i32>} : memref<512x48xf32, #tpu.memory_space<vmem>>, vector<16xf32>,
      %parallel_loop3A_384 = arith.index_cast %parallel_loop3A_357 : i32 to index
      %parallel_loop3A_385 = arith.constant 32 : index
      %parallel_loop3A_386 = tpu.vector_load %arg12[%parallel_loop3A_384, %parallel_loop3A_385] {strides = array<i32>} : memref<512x48xf32, #tpu.memory_space<vmem>>, vector<16xf32>,
      tpu.vector_store %arg12[%parallel_loop3A_384, %parallel_loop3A_385], %parallel_loop3A_367 {strides = array<i32>} : memref<512x48xf32, #tpu.memory_space<vmem>>, vector<16xf32>,
    } {sc.loop_unroll_factor = 4 : i64, sc.parallel_access}
    %dma_start3A_283 = arith.constant 2 : i32
    %dma_start3A_284 = arith.constant 256 : i32
    %dma_start3A_285 = arith.constant 0 : i32
    %dma_start3A_286 = tpu.memref_slice %arg12[%dma_start3A_284, %dma_start3A_285] : memref<512x48xf32, #tpu.memory_space<vmem>> -> memref<128x48xf32, #tpu.memory_space<vmem>>
    %dma_start3A_287 = arith.constant 0 : i32
    %dma_start3A_288 = tpu.memref_slice %arg7[%dma_start3A_283, %dma_start3A_287] : memref<4x128xi32, #tpu.memory_space<vmem>> -> memref<1x128xi32, #tpu.memory_space<vmem>>
    %dma_start3A_289 = tpu.memref_squeeze %dma_start3A_288 : memref<1x128xi32, #tpu.memory_space<vmem>> -> memref<128xi32, #tpu.memory_space<vmem>>
    %dma_start3A_290 = arith.constant 0 : i32
    %dma_start3A_291 = arith.constant 0 : i32
    %dma_start3A_292 = tpu.memref_slice %arg17[%dma_start3A_290, %dma_start3A_291] : memref<4096x48xf32, #tpu.memory_space<vmem_shared>> -> memref<4096x48xf32, #tpu.memory_space<vmem_shared>>
    tpu.enqueue_indirect_dma source(%dma_start3A_286 : memref<128x48xf32, #tpu.memory_space<vmem>>) target(%dma_start3A_292 : memref<4096x48xf32, #tpu.memory_space<vmem_shared>>) offsets(%dma_start3A_289 : memref<128xi32, #tpu.memory_space<vmem>>) semaphore(%arg21 : memref<!tpu.dma_semaphore, #tpu.memory_space<semaphore_mem>>) {add = true}
    %parallel_loop3A_293 = arith.constant 384 : i32
    %parallel_loop3A_294 = arith.constant 512 : i32
    %parallel_loop3A_295 = arith.constant 1 : i32
    scf.for %parallel_loop3A_357 = %parallel_loop3A_293 to %parallel_loop3A_294 step %parallel_loop3A_295  : i32 {
      %parallel_loop3A_358 = arith.constant 255 : i32
      %parallel_loop3A_359 = arith.andi %parallel_loop3A_357, %parallel_loop3A_358 : i32
      %parallel_loop3A_360 = arith.constant 8 : i32
      %parallel_loop3A_361 = arith.shrsi %parallel_loop3A_357, %parallel_loop3A_360 : i32
      %parallel_loop3A_362 = arith.constant 64 : i32
      %parallel_loop3A_363 = arith.muli %parallel_loop3A_361, %parallel_loop3A_362 : i32
      %parallel_loop3A_364 = arith.constant 32 : i32
      %parallel_loop3A_365 = arith.addi %parallel_loop3A_363, %parallel_loop3A_364 : i32
      %parallel_loop3A_366 = vector.broadcast %parallel_loop3A_357 : i32 to vector<16xi32>
      %parallel_loop3A_367 = tpu.vector_load_idx %arg11[%parallel_loop3A_366] : memref<512xf32, #tpu.memory_space<vmem>>[vector<16xi32>], vector<16xf32>,
      %parallel_loop3A_368 = arith.index_cast %parallel_loop3A_359 : i32 to index
      %parallel_loop3A_369 = arith.index_cast %parallel_loop3A_365 : i32 to index
      %parallel_loop3A_370 = tpu.vector_load %arg9[%parallel_loop3A_368, %parallel_loop3A_369] {strides = array<i32>} : memref<256x128xf32, #tpu.memory_space<vmem>>, vector<16xf32>,
      %parallel_loop3A_371 = arith.mulf %parallel_loop3A_367, %parallel_loop3A_370 : vector<16xf32>
      %parallel_loop3A_372 = arith.index_cast %parallel_loop3A_357 : i32 to index
      %parallel_loop3A_373 = arith.constant 0 : index
      %parallel_loop3A_374 = tpu.vector_load %arg12[%parallel_loop3A_372, %parallel_loop3A_373] {strides = array<i32>} : memref<512x48xf32, #tpu.memory_space<vmem>>, vector<16xf32>,
      tpu.vector_store %arg12[%parallel_loop3A_372, %parallel_loop3A_373], %parallel_loop3A_371 {strides = array<i32>} : memref<512x48xf32, #tpu.memory_space<vmem>>, vector<16xf32>,
      %parallel_loop3A_375 = arith.constant 16 : i32
      %parallel_loop3A_376 = arith.addi %parallel_loop3A_365, %parallel_loop3A_375 : i32
      %parallel_loop3A_377 = arith.index_cast %parallel_loop3A_359 : i32 to index
      %parallel_loop3A_378 = arith.index_cast %parallel_loop3A_376 : i32 to index
      %parallel_loop3A_379 = tpu.vector_load %arg9[%parallel_loop3A_377, %parallel_loop3A_378] {strides = array<i32>} : memref<256x128xf32, #tpu.memory_space<vmem>>, vector<16xf32>,
      %parallel_loop3A_380 = arith.mulf %parallel_loop3A_367, %parallel_loop3A_379 : vector<16xf32>
      %parallel_loop3A_381 = arith.index_cast %parallel_loop3A_357 : i32 to index
      %parallel_loop3A_382 = arith.constant 16 : index
      %parallel_loop3A_383 = tpu.vector_load %arg12[%parallel_loop3A_381, %parallel_loop3A_382] {strides = array<i32>} : memref<512x48xf32, #tpu.memory_space<vmem>>, vector<16xf32>,
      tpu.vector_store %arg12[%parallel_loop3A_381, %parallel_loop3A_382], %parallel_loop3A_380 {strides = array<i32>} : memref<512x48xf32, #tpu.memory_space<vmem>>, vector<16xf32>,
      %parallel_loop3A_384 = arith.index_cast %parallel_loop3A_357 : i32 to index
      %parallel_loop3A_385 = arith.constant 32 : index
      %parallel_loop3A_386 = tpu.vector_load %arg12[%parallel_loop3A_384, %parallel_loop3A_385] {strides = array<i32>} : memref<512x48xf32, #tpu.memory_space<vmem>>, vector<16xf32>,
      tpu.vector_store %arg12[%parallel_loop3A_384, %parallel_loop3A_385], %parallel_loop3A_367 {strides = array<i32>} : memref<512x48xf32, #tpu.memory_space<vmem>>, vector<16xf32>,
    } {sc.loop_unroll_factor = 4 : i64, sc.parallel_access}
    %dma_start3A_296 = arith.constant 3 : i32
    %dma_start3A_297 = arith.constant 384 : i32
    %dma_start3A_298 = arith.constant 0 : i32
    %dma_start3A_299 = tpu.memref_slice %arg12[%dma_start3A_297, %dma_start3A_298] : memref<512x48xf32, #tpu.memory_space<vmem>> -> memref<128x48xf32, #tpu.memory_space<vmem>>
    %dma_start3A_300 = arith.constant 0 : i32
    %dma_start3A_301 = tpu.memref_slice %arg7[%dma_start3A_296, %dma_start3A_300] : memref<4x128xi32, #tpu.memory_space<vmem>> -> memref<1x128xi32, #tpu.memory_space<vmem>>
    %dma_start3A_302 = tpu.memref_squeeze %dma_start3A_301 : memref<1x128xi32, #tpu.memory_space<vmem>> -> memref<128xi32, #tpu.memory_space<vmem>>
    %dma_start3A_303 = arith.constant 0 : i32
    %dma_start3A_304 = arith.constant 0 : i32
    %dma_start3A_305 = tpu.memref_slice %arg17[%dma_start3A_303, %dma_start3A_304] : memref<4096x48xf32, #tpu.memory_space<vmem_shared>> -> memref<4096x48xf32, #tpu.memory_space<vmem_shared>>
    tpu.enqueue_indirect_dma source(%dma_start3A_299 : memref<128x48xf32, #tpu.memory_space<vmem>>) target(%dma_start3A_305 : memref<4096x48xf32, #tpu.memory_space<vmem_shared>>) offsets(%dma_start3A_302 : memref<128xi32, #tpu.memory_space<vmem>>) semaphore(%arg21 : memref<!tpu.dma_semaphore, #tpu.memory_space<semaphore_mem>>) {add = true}
    %dma_wait3A_306 = arith.constant 0 : i32
    %dma_wait3A_307 = arith.constant 0 : i32
    %dma_wait3A_308 = arith.constant 0 : i32
    %dma_wait3A_309 = tpu.memref_slice %arg12[%dma_wait3A_307, %dma_wait3A_308] : memref<512x48xf32, #tpu.memory_space<vmem>> -> memref<128x48xf32, #tpu.memory_space<vmem>>
    %dma_wait3A_310 = arith.constant 0 : i32
    %dma_wait3A_311 = tpu.memref_slice %arg7[%dma_wait3A_306, %dma_wait3A_310] : memref<4x128xi32, #tpu.memory_space<vmem>> -> memref<1x128xi32, #tpu.memory_space<vmem>>
    %dma_wait3A_312 = tpu.memref_squeeze %dma_wait3A_311 : memref<1x128xi32, #tpu.memory_space<vmem>> -> memref<128xi32, #tpu.memory_space<vmem>>
    %dma_wait3A_313 = arith.constant 0 : i32
    %dma_wait3A_314 = arith.constant 0 : i32
    %dma_wait3A_315 = tpu.memref_slice %arg17[%dma_wait3A_313, %dma_wait3A_314] : memref<4096x48xf32, #tpu.memory_space<vmem_shared>> -> memref<4096x48xf32, #tpu.memory_space<vmem_shared>>
    tpu.wait_indirect_dma semaphore(%arg21 : memref<!tpu.dma_semaphore, #tpu.memory_space<semaphore_mem>>) src(%dma_wait3A_309 : memref<128x48xf32, #tpu.memory_space<vmem>>) dst(%dma_wait3A_315 : memref<4096x48xf32, #tpu.memory_space<vmem_shared>>)
    %dma_wait3A_316 = arith.constant 1 : i32
    %dma_wait3A_317 = arith.constant 128 : i32
    %dma_wait3A_318 = arith.constant 0 : i32
    %dma_wait3A_319 = tpu.memref_slice %arg12[%dma_wait3A_317, %dma_wait3A_318] : memref<512x48xf32, #tpu.memory_space<vmem>> -> memref<128x48xf32, #tpu.memory_space<vmem>>
    %dma_wait3A_320 = arith.constant 0 : i32
    %dma_wait3A_321 = tpu.memref_slice %arg7[%dma_wait3A_316, %dma_wait3A_320] : memref<4x128xi32, #tpu.memory_space<vmem>> -> memref<1x128xi32, #tpu.memory_space<vmem>>
    %dma_wait3A_322 = tpu.memref_squeeze %dma_wait3A_321 : memref<1x128xi32, #tpu.memory_space<vmem>> -> memref<128xi32, #tpu.memory_space<vmem>>
    %dma_wait3A_323 = arith.constant 0 : i32
    %dma_wait3A_324 = arith.constant 0 : i32
    %dma_wait3A_325 = tpu.memref_slice %arg17[%dma_wait3A_323, %dma_wait3A_324] : memref<4096x48xf32, #tpu.memory_space<vmem_shared>> -> memref<4096x48xf32, #tpu.memory_space<vmem_shared>>
    tpu.wait_indirect_dma semaphore(%arg21 : memref<!tpu.dma_semaphore, #tpu.memory_space<semaphore_mem>>) src(%dma_wait3A_319 : memref<128x48xf32, #tpu.memory_space<vmem>>) dst(%dma_wait3A_325 : memref<4096x48xf32, #tpu.memory_space<vmem_shared>>)
    %dma_wait3A_326 = arith.constant 2 : i32
    %dma_wait3A_327 = arith.constant 256 : i32
    %dma_wait3A_328 = arith.constant 0 : i32
    %dma_wait3A_329 = tpu.memref_slice %arg12[%dma_wait3A_327, %dma_wait3A_328] : memref<512x48xf32, #tpu.memory_space<vmem>> -> memref<128x48xf32, #tpu.memory_space<vmem>>
    %dma_wait3A_330 = arith.constant 0 : i32
    %dma_wait3A_331 = tpu.memref_slice %arg7[%dma_wait3A_326, %dma_wait3A_330] : memref<4x128xi32, #tpu.memory_space<vmem>> -> memref<1x128xi32, #tpu.memory_space<vmem>>
    %dma_wait3A_332 = tpu.memref_squeeze %dma_wait3A_331 : memref<1x128xi32, #tpu.memory_space<vmem>> -> memref<128xi32, #tpu.memory_space<vmem>>
    %dma_wait3A_333 = arith.constant 0 : i32
    %dma_wait3A_334 = arith.constant 0 : i32
    %dma_wait3A_335 = tpu.memref_slice %arg17[%dma_wait3A_333, %dma_wait3A_334] : memref<4096x48xf32, #tpu.memory_space<vmem_shared>> -> memref<4096x48xf32, #tpu.memory_space<vmem_shared>>
    tpu.wait_indirect_dma semaphore(%arg21 : memref<!tpu.dma_semaphore, #tpu.memory_space<semaphore_mem>>) src(%dma_wait3A_329 : memref<128x48xf32, #tpu.memory_space<vmem>>) dst(%dma_wait3A_335 : memref<4096x48xf32, #tpu.memory_space<vmem_shared>>)
    %dma_wait3A_336 = arith.constant 3 : i32
    %dma_wait3A_337 = arith.constant 384 : i32
    %dma_wait3A_338 = arith.constant 0 : i32
    %dma_wait3A_339 = tpu.memref_slice %arg12[%dma_wait3A_337, %dma_wait3A_338] : memref<512x48xf32, #tpu.memory_space<vmem>> -> memref<128x48xf32, #tpu.memory_space<vmem>>
    %dma_wait3A_340 = arith.constant 0 : i32
    %dma_wait3A_341 = tpu.memref_slice %arg7[%dma_wait3A_336, %dma_wait3A_340] : memref<4x128xi32, #tpu.memory_space<vmem>> -> memref<1x128xi32, #tpu.memory_space<vmem>>
    %dma_wait3A_342 = tpu.memref_squeeze %dma_wait3A_341 : memref<1x128xi32, #tpu.memory_space<vmem>> -> memref<128xi32, #tpu.memory_space<vmem>>
    %dma_wait3A_343 = arith.constant 0 : i32
    %dma_wait3A_344 = arith.constant 0 : i32
    %dma_wait3A_345 = tpu.memref_slice %arg17[%dma_wait3A_343, %dma_wait3A_344] : memref<4096x48xf32, #tpu.memory_space<vmem_shared>> -> memref<4096x48xf32, #tpu.memory_space<vmem_shared>>
    tpu.wait_indirect_dma semaphore(%arg21 : memref<!tpu.dma_semaphore, #tpu.memory_space<semaphore_mem>>) src(%dma_wait3A_339 : memref<128x48xf32, #tpu.memory_space<vmem>>) dst(%dma_wait3A_345 : memref<4096x48xf32, #tpu.memory_space<vmem_shared>>)
    %barrier3A_346 = arith.constant 0 : index
    tpu.barrier barrier_id(%barrier3A_346)
    %eq3A_347 = arith.constant 0 : i32
    %eq3A_348 = arith.cmpi eq, %arg0, %eq3A_347 : i32
    %convert_element_type3A_349 = arith.extui %eq3A_348 : i1 to i32
    %cond3A_350 = arith.constant 0 : i32
    %cond3A_351 = arith.cmpi ne, %convert_element_type3A_349, %cond3A_350 : i32
    scf.if %cond3A_351 {
      %mul3A_357 = arith.constant 256 : i32
      %mul3A_358 = arith.muli %arg1, %mul3A_357 : i32
      %mul3A_359 = arith.constant 256 : i32
      %mul3A_360 = arith.muli %arg1, %mul3A_359 : i32
      "tpu.region"() ({
        %run_scoped3A = tpu.sem_alloc : memref<!tpu.dma_semaphore, #tpu.memory_space<semaphore_mem>>
        %dma_start3A_361 = arith.constant 0 : i32
        %dma_start3A_362 = tpu.memref_slice %arg5[%mul3A_360, %dma_start3A_361] : memref<4096x128xf32, #tpu.memory_space<hbm>> -> memref<256x48xf32, #tpu.memory_space<hbm>>
        %dma_start3A_363 = arith.constant 0 : i32
        %dma_start3A_364 = tpu.memref_slice %arg17[%mul3A_358, %dma_start3A_363] : memref<4096x48xf32, #tpu.memory_space<vmem_shared>> -> memref<256x48xf32, #tpu.memory_space<vmem_shared>>
        tpu.enqueue_dma source(%dma_start3A_364 : memref<256x48xf32, #tpu.memory_space<vmem_shared>>) target(%dma_start3A_362 : memref<256x48xf32, #tpu.memory_space<hbm>>) target_semaphore(%run_scoped3A : memref<!tpu.dma_semaphore, #tpu.memory_space<semaphore_mem>>)
        %dma_wait3A_365 = arith.constant 0 : i32
        %dma_wait3A_366 = tpu.memref_slice %arg5[%mul3A_360, %dma_wait3A_365] : memref<4096x128xf32, #tpu.memory_space<hbm>> -> memref<256x48xf32, #tpu.memory_space<hbm>>
        %dma_wait3A_367 = arith.constant 0 : i32
        %dma_wait3A_368 = tpu.memref_slice %arg17[%mul3A_358, %dma_wait3A_367] : memref<4096x48xf32, #tpu.memory_space<vmem_shared>> -> memref<256x48xf32, #tpu.memory_space<vmem_shared>>
        tpu.wait_dma2 semaphore(%run_scoped3A : memref<!tpu.dma_semaphore, #tpu.memory_space<semaphore_mem>>) src(%dma_wait3A_368 : memref<256x48xf32, #tpu.memory_space<vmem_shared>>) dst(%dma_wait3A_366 : memref<256x48xf32, #tpu.memory_space<hbm>>)
        tpu.yield
      }) : () -> ()
    } else {
    }
    %eq3A_352 = arith.constant 1 : i32
    %eq3A_353 = arith.cmpi eq, %arg0, %eq3A_352 : i32
    %convert_element_type3A_354 = arith.extui %eq3A_353 : i1 to i32
    %cond3A_355 = arith.constant 0 : i32
    %cond3A_356 = arith.cmpi ne, %convert_element_type3A_354, %cond3A_355 : i32
    scf.if %cond3A_356 {
      %mul3A_357 = arith.constant 256 : i32
      %mul3A_358 = arith.muli %arg1, %mul3A_357 : i32
      %mul3A_359 = arith.constant 256 : i32
      %mul3A_360 = arith.muli %arg1, %mul3A_359 : i32
      "tpu.region"() ({
        %run_scoped3A = tpu.sem_alloc : memref<!tpu.dma_semaphore, #tpu.memory_space<semaphore_mem>>
        %dma_start3A_361 = arith.constant 48 : i32
        %dma_start3A_362 = tpu.memref_slice %arg5[%mul3A_360, %dma_start3A_361] : memref<4096x128xf32, #tpu.memory_space<hbm>> -> memref<256x48xf32, #tpu.memory_space<hbm>>
        %dma_start3A_363 = arith.constant 0 : i32
        %dma_start3A_364 = tpu.memref_slice %arg17[%mul3A_358, %dma_start3A_363] : memref<4096x48xf32, #tpu.memory_space<vmem_shared>> -> memref<256x48xf32, #tpu.memory_space<vmem_shared>>
        tpu.enqueue_dma source(%dma_start3A_364 : memref<256x48xf32, #tpu.memory_space<vmem_shared>>) target(%dma_start3A_362 : memref<256x48xf32, #tpu.memory_space<hbm>>) target_semaphore(%run_scoped3A : memref<!tpu.dma_semaphore, #tpu.memory_space<semaphore_mem>>)
        %dma_wait3A_365 = arith.constant 48 : i32
        %dma_wait3A_366 = tpu.memref_slice %arg5[%mul3A_360, %dma_wait3A_365] : memref<4096x128xf32, #tpu.memory_space<hbm>> -> memref<256x48xf32, #tpu.memory_space<hbm>>
        %dma_wait3A_367 = arith.constant 0 : i32
        %dma_wait3A_368 = tpu.memref_slice %arg17[%mul3A_358, %dma_wait3A_367] : memref<4096x48xf32, #tpu.memory_space<vmem_shared>> -> memref<256x48xf32, #tpu.memory_space<vmem_shared>>
        tpu.wait_dma2 semaphore(%run_scoped3A : memref<!tpu.dma_semaphore, #tpu.memory_space<semaphore_mem>>) src(%dma_wait3A_368 : memref<256x48xf32, #tpu.memory_space<vmem_shared>>) dst(%dma_wait3A_366 : memref<256x48xf32, #tpu.memory_space<hbm>>)
        tpu.yield
      }) : () -> ()
    } else {
    }
    return
  }
}

module attributes {stable_mosaic.version = 14 : i64} {
  func.func @_combine_body(%arg0: memref<4096x128xf32, #tpu.memory_space<vmem>>, %arg1: memref<8x128xf32, #tpu.memory_space<vmem>>, %arg2: memref<32x4096xf32, #tpu.memory_space<vmem>>) attributes {dimension_semantics = [], scalar_prefetch = 0 : i64, scratch_operands = 0 : i64, tpu.core_type = #tpu.core_type<tc>} {
    %get3A = arith.constant 0 : index
    %get3A_0 = arith.constant 0 : index
    %get3A_1 = vector.load %arg1[%get3A, %get3A_0] : memref<8x128xf32, #tpu.memory_space<vmem>>, vector<1x16xf32>
    %reduce_max3A = vector.shape_cast %get3A_1 : vector<1x16xf32> to vector<1x1x16xf32>
    %reduce_max3A_2 = arith.constant dense<0xFF800000> : vector<1xf32>
    %reduce_max3A_3 = vector.multi_reduction <maximumf>, %reduce_max3A, %reduce_max3A_2 [1, 2] : vector<1x1x16xf32> to vector<1xf32>
    %reduce_max3A_4 = vector.shape_cast %reduce_max3A_3 : vector<1xf32> to vector<1x1x1xf32>
    %reduce_max3A_5 = vector.extract %reduce_max3A_4[0, 0, 0] : f32 from vector<1x1x1xf32>
    %get3A_6 = arith.constant 1 : index
    %get3A_7 = arith.constant 0 : index
    %get3A_8 = vector.load %arg1[%get3A_6, %get3A_7] : memref<8x128xf32, #tpu.memory_space<vmem>>, vector<1x16xf32>
    %reduce_max3A_9 = vector.shape_cast %get3A_8 : vector<1x16xf32> to vector<1x1x16xf32>
    %reduce_max3A_10 = arith.constant dense<0xFF800000> : vector<1xf32>
    %reduce_max3A_11 = vector.multi_reduction <maximumf>, %reduce_max3A_9, %reduce_max3A_10 [1, 2] : vector<1x1x16xf32> to vector<1xf32>
    %reduce_max3A_12 = vector.shape_cast %reduce_max3A_11 : vector<1xf32> to vector<1x1x1xf32>
    %reduce_max3A_13 = vector.extract %reduce_max3A_12[0, 0, 0] : f32 from vector<1x1x1xf32>
    %max3A = arith.maximumf %reduce_max3A_5, %reduce_max3A_13 : f32
    %sub3A = arith.subf %reduce_max3A_5, %max3A : f32
    %exp3A = math.exp %sub3A : f32
    %sub3A_14 = arith.subf %reduce_max3A_13, %max3A : f32
    %exp3A_15 = math.exp %sub3A_14 : f32
    %get3A_16 = arith.constant 0 : index
    %get3A_17 = arith.constant 0 : index
    %get3A_18 = vector.load %arg0[%get3A_16, %get3A_17] : memref<4096x128xf32, #tpu.memory_space<vmem>>, vector<4096x128xf32>
    %slice3A = vector.extract_strided_slice %get3A_18 {offsets = [0, 0], sizes = [4096, 32], strides = [1, 1]} : vector<4096x128xf32> to vector<4096x32xf32>
    %mul3A = vector.broadcast %exp3A : f32 to vector<4096x32xf32>
    %mul3A_19 = arith.mulf %mul3A, %slice3A : vector<4096x32xf32>
    %slice3A_20 = vector.extract_strided_slice %get3A_18 {offsets = [0, 48], sizes = [4096, 32], strides = [1, 1]} : vector<4096x128xf32> to vector<4096x32xf32>
    %mul3A_21 = vector.broadcast %exp3A_15 : f32 to vector<4096x32xf32>
    %mul3A_22 = arith.mulf %mul3A_21, %slice3A_20 : vector<4096x32xf32>
    %add3A = arith.addf %mul3A_19, %mul3A_22 : vector<4096x32xf32>
    %slice3A_23 = vector.extract_strided_slice %get3A_18 {offsets = [0, 32], sizes = [4096, 1], strides = [1, 1]} : vector<4096x128xf32> to vector<4096x1xf32>
    %mul3A_24 = vector.broadcast %exp3A : f32 to vector<4096x1xf32>
    %mul3A_25 = arith.mulf %mul3A_24, %slice3A_23 : vector<4096x1xf32>
    %slice3A_26 = vector.extract_strided_slice %get3A_18 {offsets = [0, 80], sizes = [4096, 1], strides = [1, 1]} : vector<4096x128xf32> to vector<4096x1xf32>
    %mul3A_27 = vector.broadcast %exp3A_15 : f32 to vector<4096x1xf32>
    %mul3A_28 = arith.mulf %mul3A_27, %slice3A_26 : vector<4096x1xf32>
    %add3A_29 = arith.addf %mul3A_25, %mul3A_28 : vector<4096x1xf32>
    %ne3A = arith.constant 0.000000e+00 : f32
    %ne3A_30 = vector.broadcast %ne3A : f32 to vector<4096x1xf32>
    %ne3A_31 = arith.cmpf one, %add3A_29, %ne3A_30 : vector<4096x1xf32>
    %div3A = arith.constant 1.000000e+00 : f32
    %div3A_32 = vector.broadcast %div3A : f32 to vector<4096x1xf32>
    %div3A_33 = arith.divf %div3A_32, %add3A_29 : vector<4096x1xf32>
    %jit3A = arith.constant 0.000000e+00 : f32
    %broadcast_in_dim3A = vector.broadcast %jit3A : f32 to vector<4096x1xf32>
    %select_n3A = arith.select %ne3A_31, %div3A_33, %broadcast_in_dim3A : vector<4096x1xi1>, vector<4096x1xf32>
    %mul3A_34 = vector.broadcast %select_n3A : vector<4096x1xf32> to vector<4096x32xf32>
    %mul3A_35 = arith.mulf %add3A, %mul3A_34 : vector<4096x32xf32>
    %transpose3A = tpu.transpose %mul3A_35, [1, 0] : vector<4096x32xf32> -> vector<32x4096xf32>
    %swap3A = arith.constant 0 : index
    %swap3A_36 = arith.constant 0 : index
    %swap3A_37 = vector.load %arg2[%swap3A, %swap3A_36] : memref<32x4096xf32, #tpu.memory_space<vmem>>, vector<32x4096xf32>
    tpu.vector_store %arg2[%swap3A, %swap3A_36], %transpose3A {strides = array<i32>} : memref<32x4096xf32, #tpu.memory_space<vmem>>, vector<32x4096xf32>,
    return
  }
}

module attributes {stable_mosaic.version = 14 : i64} {
  func.func @_proj_body(%arg0: i32, %arg1: memref<64x2048xf32, #tpu.memory_space<vmem>>, %arg2: memref<64x4096xf32, #tpu.memory_space<vmem>>, %arg3: memref<64x4096xf32, #tpu.memory_space<vmem>>, %arg4: memref<32x64xf32, #tpu.memory_space<vmem>>, %arg5: memref<1x32xf32, #tpu.memory_space<vmem>>, %arg6: memref<32x64xf32, #tpu.memory_space<vmem>>, %arg7: memref<1x32xf32, #tpu.memory_space<vmem>>, %arg8: memref<32x64xf32, #tpu.memory_space<vmem>>, %arg9: memref<1x32xf32, #tpu.memory_space<vmem>>, %arg10: memref<2048x32xf32, #tpu.memory_space<vmem>>, %arg11: memref<4096x128xf32, #tpu.memory_space<vmem>>) attributes {dimension_semantics = [#tpu.dimension_semantics<arbitrary>], iteration_bounds = array<i64: 2>, scalar_prefetch = 0 : i64, scratch_operands = 0 : i64, tpu.core_type = #tpu.core_type<tc>, window_params = [{transform_indices = @transform_0, window_bounds = array<i64: 64, 2048>}, {transform_indices = @transform_1, window_bounds = array<i64: 64, 4096>}, {transform_indices = @transform_2, window_bounds = array<i64: 64, 4096>}, {pipeline_mode = #tpu.pipeline_mode<synchronous>, transform_indices = @transform_3, window_bounds = array<i64: 32, 64>}, {pipeline_mode = #tpu.pipeline_mode<synchronous>, transform_indices = @transform_4, window_bounds = array<i64: 1, 32>}, {pipeline_mode = #tpu.pipeline_mode<synchronous>, transform_indices = @transform_5, window_bounds = array<i64: 32, 64>}, {pipeline_mode = #tpu.pipeline_mode<synchronous>, transform_indices = @transform_6, window_bounds = array<i64: 1, 32>}, {pipeline_mode = #tpu.pipeline_mode<synchronous>, transform_indices = @transform_7, window_bounds = array<i64: 32, 64>}, {pipeline_mode = #tpu.pipeline_mode<synchronous>, transform_indices = @transform_8, window_bounds = array<i64: 1, 32>}, {transform_indices = @transform_9, window_bounds = array<i64: 2048, 32>}, {transform_indices = @transform_10, window_bounds = array<i64: 4096, 128>}]} {
    %get3A = arith.constant 0 : index
    %get3A_0 = arith.constant 0 : index
    %get3A_1 = vector.load %arg1[%get3A, %get3A_0] : memref<64x2048xf32, #tpu.memory_space<vmem>>, vector<64x2048xf32>
    %get3A_2 = arith.constant 0 : index
    %get3A_3 = arith.constant 0 : index
    %get3A_4 = vector.load %arg4[%get3A_2, %get3A_3] : memref<32x64xf32, #tpu.memory_space<vmem>>, vector<32x64xf32>
    %dot_general3A = arith.constant dense<0.000000e+00> : vector<2048x32xf32>
    %dot_general3A_5 = tpu.matmul %get3A_1, %get3A_4, %dot_general3A {dimension_numbers = #tpu.dot_dimension_numbers<[0], [1], [1], [0], [0, 1, 1, 0], [], []>, transpose_lhs_hint = false} : vector<64x2048xf32>, vector<32x64xf32>, vector<2048x32xf32> -> vector<2048x32xf32>
    %get3A_6 = arith.constant 0 : index
    %get3A_7 = arith.constant 0 : index
    %get3A_8 = vector.load %arg5[%get3A_6, %get3A_7] : memref<1x32xf32, #tpu.memory_space<vmem>>, vector<1x32xf32>
    %add3A = vector.broadcast %get3A_8 : vector<1x32xf32> to vector<2048x32xf32>
    %add3A_9 = arith.addf %dot_general3A_5, %add3A : vector<2048x32xf32>
    %swap3A = arith.constant 0 : index
    %swap3A_10 = arith.constant 0 : index
    %swap3A_11 = vector.load %arg10[%swap3A, %swap3A_10] : memref<2048x32xf32, #tpu.memory_space<vmem>>, vector<2048x32xf32>
    tpu.vector_store %arg10[%swap3A, %swap3A_10], %add3A_9 {strides = array<i32>} : memref<2048x32xf32, #tpu.memory_space<vmem>>, vector<2048x32xf32>,
    %get3A_12 = arith.constant 0 : index
    %get3A_13 = arith.constant 0 : index
    %get3A_14 = vector.load %arg2[%get3A_12, %get3A_13] : memref<64x4096xf32, #tpu.memory_space<vmem>>, vector<64x4096xf32>
    %get3A_15 = arith.constant 0 : index
    %get3A_16 = arith.constant 0 : index
    %get3A_17 = vector.load %arg6[%get3A_15, %get3A_16] : memref<32x64xf32, #tpu.memory_space<vmem>>, vector<32x64xf32>
    %dot_general3A_18 = arith.constant dense<0.000000e+00> : vector<4096x32xf32>
    %dot_general3A_19 = tpu.matmul %get3A_14, %get3A_17, %dot_general3A_18 {dimension_numbers = #tpu.dot_dimension_numbers<[0], [1], [1], [0], [0, 1, 1, 0], [], []>, transpose_lhs_hint = false} : vector<64x4096xf32>, vector<32x64xf32>, vector<4096x32xf32> -> vector<4096x32xf32>
    %get3A_20 = arith.constant 0 : index
    %get3A_21 = arith.constant 0 : index
    %get3A_22 = vector.load %arg2[%get3A_20, %get3A_21] : memref<64x4096xf32, #tpu.memory_space<vmem>>, vector<64x4096xf32>
    %get3A_23 = arith.constant 0 : index
    %get3A_24 = arith.constant 0 : index
    %get3A_25 = vector.load %arg8[%get3A_23, %get3A_24] : memref<32x64xf32, #tpu.memory_space<vmem>>, vector<32x64xf32>
    %dot_general3A_26 = arith.constant dense<0.000000e+00> : vector<4096x32xf32>
    %dot_general3A_27 = tpu.matmul %get3A_22, %get3A_25, %dot_general3A_26 {dimension_numbers = #tpu.dot_dimension_numbers<[0], [1], [1], [0], [0, 1, 1, 0], [], []>, transpose_lhs_hint = false} : vector<64x4096xf32>, vector<32x64xf32>, vector<4096x32xf32> -> vector<4096x32xf32>
    %get3A_28 = arith.constant 0 : index
    %get3A_29 = arith.constant 0 : index
    %get3A_30 = vector.load %arg3[%get3A_28, %get3A_29] : memref<64x4096xf32, #tpu.memory_space<vmem>>, vector<64x4096xf32>
    %get3A_31 = arith.constant 0 : index
    %get3A_32 = arith.constant 0 : index
    %get3A_33 = vector.load %arg6[%get3A_31, %get3A_32] : memref<32x64xf32, #tpu.memory_space<vmem>>, vector<32x64xf32>
    %dot_general3A_34 = arith.constant dense<0.000000e+00> : vector<4096x32xf32>
    %dot_general3A_35 = tpu.matmul %get3A_30, %get3A_33, %dot_general3A_34 {dimension_numbers = #tpu.dot_dimension_numbers<[0], [1], [1], [0], [0, 1, 1, 0], [], []>, transpose_lhs_hint = false} : vector<64x4096xf32>, vector<32x64xf32>, vector<4096x32xf32> -> vector<4096x32xf32>
    %get3A_36 = arith.constant 0 : index
    %get3A_37 = arith.constant 0 : index
    %get3A_38 = vector.load %arg3[%get3A_36, %get3A_37] : memref<64x4096xf32, #tpu.memory_space<vmem>>, vector<64x4096xf32>
    %get3A_39 = arith.constant 0 : index
    %get3A_40 = arith.constant 0 : index
    %get3A_41 = vector.load %arg8[%get3A_39, %get3A_40] : memref<32x64xf32, #tpu.memory_space<vmem>>, vector<32x64xf32>
    %dot_general3A_42 = arith.constant dense<0.000000e+00> : vector<4096x32xf32>
    %dot_general3A_43 = tpu.matmul %get3A_38, %get3A_41, %dot_general3A_42 {dimension_numbers = #tpu.dot_dimension_numbers<[0], [1], [1], [0], [0, 1, 1, 0], [], []>, transpose_lhs_hint = false} : vector<64x4096xf32>, vector<32x64xf32>, vector<4096x32xf32> -> vector<4096x32xf32>
    %get3A_44 = arith.constant 0 : index
    %get3A_45 = arith.constant 0 : index
    %get3A_46 = vector.load %arg7[%get3A_44, %get3A_45] : memref<1x32xf32, #tpu.memory_space<vmem>>, vector<1x32xf32>
    %add3A_47 = vector.broadcast %get3A_46 : vector<1x32xf32> to vector<4096x32xf32>
    %add3A_48 = arith.addf %dot_general3A_19, %add3A_47 : vector<4096x32xf32>
    %swap3A_49 = arith.constant 0 : index
    %swap3A_50 = arith.constant 0 : index
    %swap3A_51 = vector.load %arg11[%swap3A_49, %swap3A_50] : memref<4096x128xf32, #tpu.memory_space<vmem>>, vector<4096x32xf32>
    tpu.vector_store %arg11[%swap3A_49, %swap3A_50], %add3A_48 {strides = array<i32>} : memref<4096x128xf32, #tpu.memory_space<vmem>>, vector<4096x32xf32>,
    %get3A_52 = arith.constant 0 : index
    %get3A_53 = arith.constant 0 : index
    %get3A_54 = vector.load %arg9[%get3A_52, %get3A_53] : memref<1x32xf32, #tpu.memory_space<vmem>>, vector<1x32xf32>
    %add3A_55 = vector.broadcast %get3A_54 : vector<1x32xf32> to vector<4096x32xf32>
    %add3A_56 = arith.addf %dot_general3A_27, %add3A_55 : vector<4096x32xf32>
    %swap3A_57 = arith.constant 0 : index
    %swap3A_58 = arith.constant 32 : index
    %swap3A_59 = vector.load %arg11[%swap3A_57, %swap3A_58] : memref<4096x128xf32, #tpu.memory_space<vmem>>, vector<4096x32xf32>
    tpu.vector_store %arg11[%swap3A_57, %swap3A_58], %add3A_56 {strides = array<i32>} : memref<4096x128xf32, #tpu.memory_space<vmem>>, vector<4096x32xf32>,
    %get3A_60 = arith.constant 0 : index
    %get3A_61 = arith.constant 0 : index
    %get3A_62 = vector.load %arg7[%get3A_60, %get3A_61] : memref<1x32xf32, #tpu.memory_space<vmem>>, vector<1x32xf32>
    %add3A_63 = vector.broadcast %get3A_62 : vector<1x32xf32> to vector<4096x32xf32>
    %add3A_64 = arith.addf %dot_general3A_35, %add3A_63 : vector<4096x32xf32>
    %swap3A_65 = arith.constant 0 : index
    %swap3A_66 = arith.constant 64 : index
    %swap3A_67 = vector.load %arg11[%swap3A_65, %swap3A_66] : memref<4096x128xf32, #tpu.memory_space<vmem>>, vector<4096x32xf32>
    tpu.vector_store %arg11[%swap3A_65, %swap3A_66], %add3A_64 {strides = array<i32>} : memref<4096x128xf32, #tpu.memory_space<vmem>>, vector<4096x32xf32>,
    %get3A_68 = arith.constant 0 : index
    %get3A_69 = arith.constant 0 : index
    %get3A_70 = vector.load %arg9[%get3A_68, %get3A_69] : memref<1x32xf32, #tpu.memory_space<vmem>>, vector<1x32xf32>
    %add3A_71 = vector.broadcast %get3A_70 : vector<1x32xf32> to vector<4096x32xf32>
    %add3A_72 = arith.addf %dot_general3A_43, %add3A_71 : vector<4096x32xf32>
    %swap3A_73 = arith.constant 0 : index
    %swap3A_74 = arith.constant 96 : index
    %swap3A_75 = vector.load %arg11[%swap3A_73, %swap3A_74] : memref<4096x128xf32, #tpu.memory_space<vmem>>, vector<4096x32xf32>
    tpu.vector_store %arg11[%swap3A_73, %swap3A_74], %add3A_72 {strides = array<i32>} : memref<4096x128xf32, #tpu.memory_space<vmem>>, vector<4096x32xf32>,
    return
  }
  func.func @transform_0(%arg0: i32) -> (i32, i32) {
    %c0_i32 = arith.constant 0 : i32
    %c0_i32_0 = arith.constant 0 : i32
    return %c0_i32, %arg0 : i32, i32
  }
  func.func @transform_1(%arg0: i32) -> (i32, i32) {
    %c0_i32 = arith.constant 0 : i32
    %c0_i32_0 = arith.constant 0 : i32
    return %c0_i32, %arg0 : i32, i32
  }
  func.func @transform_2(%arg0: i32) -> (i32, i32) {
    %add3A = arith.constant 2 : i32
    %add3A_0 = arith.addi %arg0, %add3A : i32
    %c0_i32 = arith.constant 0 : i32
    %c0_i32_1 = arith.constant 0 : i32
    return %c0_i32, %add3A_0 : i32, i32
  }
  func.func @transform_3(%arg0: i32) -> (i32, i32) {
    %c0_i32 = arith.constant 0 : i32
    %c0_i32_0 = arith.constant 0 : i32
    %c0_i32_1 = arith.constant 0 : i32
    return %c0_i32, %c0_i32_0 : i32, i32
  }
  func.func @transform_4(%arg0: i32) -> (i32, i32) {
    %c0_i32 = arith.constant 0 : i32
    %c0_i32_0 = arith.constant 0 : i32
    %c0_i32_1 = arith.constant 0 : i32
    return %c0_i32, %c0_i32_0 : i32, i32
  }
  func.func @transform_5(%arg0: i32) -> (i32, i32) {
    %c0_i32 = arith.constant 0 : i32
    %c0_i32_0 = arith.constant 0 : i32
    %c0_i32_1 = arith.constant 0 : i32
    return %c0_i32, %c0_i32_0 : i32, i32
  }
  func.func @transform_6(%arg0: i32) -> (i32, i32) {
    %c0_i32 = arith.constant 0 : i32
    %c0_i32_0 = arith.constant 0 : i32
    %c0_i32_1 = arith.constant 0 : i32
    return %c0_i32, %c0_i32_0 : i32, i32
  }
  func.func @transform_7(%arg0: i32) -> (i32, i32) {
    %c0_i32 = arith.constant 0 : i32
    %c0_i32_0 = arith.constant 0 : i32
    %c0_i32_1 = arith.constant 0 : i32
    return %c0_i32, %c0_i32_0 : i32, i32
  }
  func.func @transform_8(%arg0: i32) -> (i32, i32) {
    %c0_i32 = arith.constant 0 : i32
    %c0_i32_0 = arith.constant 0 : i32
    %c0_i32_1 = arith.constant 0 : i32
    return %c0_i32, %c0_i32_0 : i32, i32
  }
  func.func @transform_9(%arg0: i32) -> (i32, i32) {
    %c0_i32 = arith.constant 0 : i32
    %c0_i32_0 = arith.constant 0 : i32
    return %arg0, %c0_i32 : i32, i32
  }
  func.func @transform_10(%arg0: i32) -> (i32, i32) {
    %c0_i32 = arith.constant 0 : i32
    %c0_i32_0 = arith.constant 0 : i32
    return %arg0, %c0_i32 : i32, i32
  }
}

</mosaic_0001>

<sc_bundles>
// kernel: kernel.5.cloned.1.call-start
scs
__scs_entry_jumppad:
0x0: {  	(pc) =	sbr.rel $0x88, $3  }
0x1: {  	(tag) =	ssettag $0x0;
	lr =	simm.s32 $0x1  }
0x2: {  	[smem:$0x3F98] =	sst lr;
	_ =	strace $0xD0000000  }
0x3: {  	_ = 	snop  }
0x4: {  	_ = 	snop  }
0x5: {  	_ = 	snop  }
0x6: {  	_ = 	snop  }
0x7: {  	_ = 	snop  }
__scs_overlays_trampoline_lowered:
0x8: {  	[smem:$0x3FA7] =	sst s0  }
0x9: {  	[smem:$0x3FA8] =	sst s1  }
0xa: {  	[smem:$0x3FA9] =	sst s2  }
0xb: {  	[smem:$0x3FAA] =	sst s3  }
0xc: {  	[smem:$0x3FAB] =	sst s4  }
0xd: {  	[smem:$0x3FAC] =	sst s5  }
0xe: {  	[smem:$0x3FAD] =	sst s6  }
0xf: {  	[smem:$0x3FAE] =	sst s7  }
0x10: {  	[smem:$0x3FAF] =	sst s8  }
0x11: {  	[smem:$0x3FB0] =	sst s9;
	s0 =	simm.s32 @!p0 $0x0  }
0x12: {  	s1 =	sld [smem:$0x3F96];
	s0 =	simm.s32 @p0 $0x1  }
0x13: {  	[smem:$0x3FB1] =	sst s0;
	s0 =	simm.s32 @!p1 $0x0  }
0x14: {  	s2 =	sld [smem:$0x3F95];
	s0 =	simm.s32 @p1 $0x1  }
0x15: {  	[smem:$0x3FB2] =	sst s0;
	s0 =	simm.s32 @!p2 $0x0  }
0x16: {  	s3 =	sld [smem:$0x3FDB];
	s0 =	simm.s32 @p2 $0x1  }
0x17: {  	s4 =	simm.s32 $0x1BF5;
	[smem:$0x3FB4] =	sst s0  }
0x18: {  	s0 =	sld [smem:$0x3F97];
	_ =	swait.ge [sflag:s4], $0x0  }
0x19: {  	s7 =	sld [smem:$0x3F98]  }
0x1a: {  	s8 =	sadd.s32 $0xFFFFE003, lr  }
0x1b: {  	s9 =	sadd.s32 $0xFFFFFEF7, lr;
	s5 =	simm.s32 $0xFFFFFFFF;
	p2 =	slt.u32 s8, $0xFFFFF086  }
0x1c: {  	p1 =	slt.u32 s9, $0xF7A;
	s5 =	simm.s32 @!p2 $0x0  }
0x1d: {  	s5 =	simm.s32 @p1 $0x1;
	p0 =	seq.s32 s7, s2  }
0x1e: {  	s7 =	smul.u32 @!p0 $0xF7A, s2;
	p2 =	seq.s32 @!p0 s5, $0x0  }
0x1f: {  	s9 =	smul.u32 $0xF7A, s1;
	s8 =	simm.s32 @!p0 $0x1BF5;
	p2 =	por !p2, p0  }
0x20: {  	[sflag:s8] =	ssyncset.s32 @!p0 $0xFFFFF086;
	s6 =	sadd.s32 @!p0 s3, s7;
	s7 =	simm.s32 @!p0 $0x108  }
0x21: {  	s3 =	sadd.s32 s3, s9;
	s6 =	sadd.s32 @!p0 $0x88, s6;
	s7 =	simm.s32 @p2 $0x1082  }
0x22: {  	[simem:s7], [sflag:s8] =	dma.local @!p0 [hbm:s6], $0xF7A  }
0x23: {  	s9 =	sor.u32 $0xD0000000, s2;
	s6 =	simm.s32 $0x108;
	_ =	swait.ge @!p0 [sflag:s8], $0x0  }
0x24: {  	s3 =	sadd.s32 $0x88, s3;
	s6 =	simm.s32 @!p1 $0x1082;
	[sflag:s4] =	ssyncset.s32 $0xFFFFF086  }
0x25: {  	[simem:s6], [sflag:s4] =	dma.local [hbm:s3], $0xF7A  }
0x26: {  	[smem:$0x3F98] =	sst s1;
	(tag) =	ssettag s2;
	_ =	strace s9  }
0x27: {  	s1 =	sld [smem:$0x3FA8]  }
0x28: {  	s2 =	sld [smem:$0x3FA9]  }
0x29: {  	s4 =	sld [smem:$0x3FAB]  }
0x2a: {  	p0 =	seq.s32 s5, $0x0;
	s5 =	sld [smem:$0x3FAC]  }
0x2b: {  	s6 =	sld [smem:$0x3FAD]  }
0x2c: {  	s7 =	sld [smem:$0x3FAE]  }
0x2d: {  	s3 =	simm.s32 $0x108;
	s8 =	sld [smem:$0x3FAF]  }
0x2e: {  	s3 =	simm.s32 @!p0 $0x1082;
	s9 =	sld [smem:$0x3FB0]  }
0x2f: {  	lr =	sadd.s32 s0, s3;
	s0 =	sld [smem:$0x3FA7]  }
0x30: {  	s3 =	sld [smem:$0x3FAA]  }
0x31: {  	[smem:$0x3FB3] =	sst s10  }
0x32: {  	s10 =	sld [smem:$0x3FB1];
	_ =	sdelay $0x3  }
0x33: {  	p0 =	seq.s32 s10, $0x1;
	s10 =	sld [smem:$0x3FB3];
	_ =	sdelay $0x3  }
0x34: {  	[smem:$0x3FB3] =	sst s10  }
0x35: {  	s10 =	sld [smem:$0x3FB2];
	_ =	sdelay $0x3  }
0x36: {  	p1 =	seq.s32 s10, $0x1;
	s10 =	sld [smem:$0x3FB3];
	_ =	sdelay $0x3  }
0x37: {  	[smem:$0x3FB3] =	sst s10  }
0x38: {  	s10 =	sld [smem:$0x3FB4]  }
0x39: {  	_ = 	snop;
	(pc) =	sbr.ind lr, $3  }
0x3a: {  	_ = 	snop  }
0x3b: {  	_ = 	snop  }
0x3c: {  	p2 =	seq.s32 s10, $0x1;
	s10 =	sld [smem:$0x3FB3]  }
0x3d: {  	_ =	shalt  }
0x3e: {  	_ =	shalt  }
0x3f: {  	_ =	shalt  }
0x40: {  	_ =	shalt  }
0x41: {  	_ =	shalt  }
0x42: {  	_ =	shalt  }
0x43: {  	_ =	shalt  }
0x44: {  	_ =	shalt  }
0x45: {  	_ =	shalt  }
0x46: {  	_ =	shalt  }
0x47: {  	_ =	shalt  }
0x48: {  	_ =	shalt  }
0x49: {  	_ =	shalt  }
0x4a: {  	_ =	shalt  }
0x4b: {  	_ =	shalt  }
0x4c: {  	_ =	shalt  }
0x4d: {  	_ =	shalt  }
0x4e: {  	_ =	shalt  }
0x4f: {  	_ =	shalt  }
0x50: {  	_ =	shalt  }
0x51: {  	_ =	shalt  }
0x52: {  	_ =	shalt  }
0x53: {  	_ =	shalt  }
0x54: {  	_ =	shalt  }
0x55: {  	_ =	shalt  }
0x56: {  	_ =	shalt  }
0x57: {  	_ =	shalt  }
0x58: {  	_ =	shalt  }
0x59: {  	_ =	shalt  }
0x5a: {  	_ =	shalt  }
0x5b: {  	_ =	shalt  }
0x5c: {  	_ =	shalt  }
0x5d: {  	_ =	shalt  }
0x5e: {  	_ =	shalt  }
0x5f: {  	_ =	shalt  }
0x60: {  	_ =	shalt  }
0x61: {  	_ =	shalt  }
0x62: {  	_ =	shalt  }
0x63: {  	_ =	shalt  }
0x64: {  	_ =	shalt  }
0x65: {  	_ =	shalt  }
0x66: {  	_ =	shalt  }
0x67: {  	_ =	shalt  }
0x68: {  	_ =	shalt  }
0x69: {  	_ =	shalt  }
0x6a: {  	_ =	shalt  }
0x6b: {  	_ =	shalt  }
0x6c: {  	_ =	shalt  }
0x6d: {  	_ =	shalt  }
0x6e: {  	_ =	shalt  }
0x6f: {  	_ =	shalt  }
0x70: {  	_ =	shalt  }
0x71: {  	_ =	shalt  }
0x72: {  	_ =	shalt  }
0x73: {  	_ =	shalt  }
0x74: {  	_ =	shalt  }
0x75: {  	_ =	shalt  }
0x76: {  	_ =	shalt  }
0x77: {  	_ =	shalt  }
0x78: {  	_ =	shalt  }
0x79: {  	_ =	shalt  }
0x7a: {  	_ =	shalt  }
0x7b: {  	_ =	shalt  }
0x7c: {  	_ =	shalt  }
0x7d: {  	_ =	shalt  }
0x7e: {  	_ =	shalt  }
0x7f: {  	_ =	shalt  }
0x80: {  	_ =	shalt  }
0x81: {  	_ =	shalt  }
0x82: {  	_ =	shalt  }
0x83: {  	_ =	shalt  }
0x84: {  	_ =	shalt  }
0x85: {  	_ =	shalt  }
0x86: {  	_ =	shalt  }
0x87: {  	_ =	shalt  }
.Lfunc_end0:
.L_simem_size_0:
called_computation_lowered:
.L_overlay_start_0:
0x88: {  	s2 =	sld [smem:$0x3FD9]  }
0x89: {  	s3 =	sld [smem:$0x3FFE];
	_ =	sdelay $0x1  }
0x8a: {  	s1 =	srdreg.scid  }
0x8b: {  	s0 =	sand.u32 $0x1, s1  }
0x8c: {  	s17 =	sshll.u32 s0, $0xA;
	s2 =	sadd.s32 s3, s2  }
0x8d: {  	s2 =	sadd.s32 s2, s17  }
0x8e: {  	[smem:$0x3FBF] =	sst s2  }
0x8f: {  	_ = 	snop  }
0x90: {  	s2 =	sld [smem:$0x3FC7]  }
0x91: {  	s18 =	sld [smem:$0x3FD0];
	(tm) =	ssettm $0x1  }
0x92: {  	s4 =	sld [smem:$0x3FFB];
	_ =	sdelay $0x3  }
0x93: {  	_ =	strace s4  }
0x94: {  	s4 =	sld [smem:$0x3FFC];
	_ =	sdelay $0x3  }
0x95: {  	_ =	strace s4  }
0x96: {  	s4 =	sld [smem:$0x3FFD];
	_ =	sdelay $0x3  }
0x97: {  	_ =	strace s4  }
0x98: {  	_ =	strace $0x8FFFFFFF  }
0x99: {  	s19 =	sld [smem:$0x3FDB];
	_ =	sdelay $0x1  }
0x9a: {  	s5 =	simm.s32 $_scs_section_size  }
0x9b: {  	s6 =	simm.s32 $_size__tile_overlayer_lowered;
	s7 =	simm.s32 $_tile_overlayer_lowered  }
0x9c: {  	s22 =	simm.s32 $0x1BFF;
	s21 =	sshll.u32 s7, $0x1;
	s4 =	sadd.s32 s5, s19  }
0x9d: {  	s8 =	simm.s32 $0x0;
	s20 =	sshll.u32 s6, $0x1;
	s6 =	sadd.s32 s21, s4  }
0x9e: {  	[timem:s8], [sflag:s22] =	dma.local [hbm:s6], s20  }
0x9f: {  	_ =	swait.ge [sflag:s22], s20  }
0xa0: {  	s5 =	ssub.s32 $0x0, s20;
	[sflag:s22] =	ssyncset.done $0x0  }
0xa1: {  	[sflag:s22] =	ssyncadd.s32 s5;
	_ =	sdelay $0x1  }
0xa2: {  	s23 =	simm.s32 $0x1B8B  }
0xa3: {  	_ =	swait.ge [sflag:s23], $0x1  }
0xa4: {  	[sflag:s23] =	ssyncset.done $0x0  }
0xa5: {  	s25 =	simm.s32 $0x1B8E;
	s24 =	sld [smem:$0x3FFE];
	[sflag:s23] =	ssyncadd.s32 $0xFFFFFFFF  }
0xa6: {  	s26 =	simm.s32 $execute0_lowered;
	[smem:$0x3FD2] =	sst s25  }
0xa7: {  	s6 =	sshll.u32 s26, $0x1;
	_ =	strace $0x80000046;
	[dreg:$0x1] =	wrdreg $0xFFFFFFFF  }
0xa8: {  	s28 =	simm.s32 $_size_execute0_lowered;
	s4 =	sadd.s32 s4, s6;
	[dreg:$0x0] =	wrdreg $0x0  }
0xa9: {  	s6 =	sshll.u32 s28, $0x1;
	[dreg:$0x2] =	wrdreg s4  }
0xaa: {  	[dreg:$0x3] =	wrdreg s6  }
0xab: {  	[dreg:$0x4] =	wrdreg $0xC0  }
0xac: {  	_ =	task [dreg:s8], $0x5FFFF  }
0xad: {  	[dreg:$0x1] =	wrdreg $0xFFFFFFFF  }
0xae: {  	[dreg:$0x0] =	wrdreg $0x60  }
0xaf: {  	[dreg:$0x2] =	wrdreg s18  }
0xb0: {  	[dreg:$0x3] =	wrdreg s24  }
0xb1: {  	[dreg:$0x4] =	wrdreg s2  }
0xb2: {  	[dreg:$0x5] =	wrdreg $0x133200  }
0xb3: {  	[dreg:$0x6] =	wrdreg $0x133100  }
0xb4: {  	[dreg:$0x7] =	wrdreg $0x9  }
0xb5: {  	_ =	task.clear_ibuf [dreg:s8], $0x8FFFF;
	_ =	strace $0x90000046  }
0xb6: {  	s29 =	simm.s32 $0x9;
	_ =	strace $0x80000048  }
0xb7: {  	_ =	swait.ge [sflag:s29], $0x1  }
0xb8: {  	[sflag:s29] =	ssyncadd.s32 $0xFFFFFFFF  }
0xb9: {  	_ =	strace $0x90000048  }
0xba: {  	_ =	sfence  }
0xbb: {  	s30 =	sld [smem:$0x0];
	_ =	sdelay $0x2  }
0xbc: {  	s31 =	sshll.u32 s1, $0xD;
	s1 =	sshrl.u32 s1, $0x2  }
0xbd: {  	s3 =	sand.u32 $0x4000, s31;
	s1 =	sadd.s32 s1, s30  }
0xbe: {  	s0 =	sor.u32 s3, s0;
	s1 =	sshll.u32 s1, $0x11  }
0xbf: {  	s0 =	sor.u32 s1, s0  }
0xc0: {  	s0 =	sadd.s32 $0x8F2B, s0  }
0xc1: {  	[sflag:s0] =	ssyncadd.remote.s32 $0x1  }
0xc2: {  	_ =	sfence.sel $0xFFFF  }
0xc3: {  	[dreg:$0x0] =	wrdreg $0xFFFFFFFF;
	(pc) =	sbr.abs _section_cstart, $3  }
0xc4: {  	[dreg:$0x1] =	wrdreg $0xFFFFFFFF  }
0xc5: {  	_ =	task.clear_ibuf [dreg:s8], $0x2FFFF;
	_ =	strace $0x9FFFFFFF  }
0xc6: {  	(tm) =	ssettm $0x7FFFFFFF  }
0xc7: {  	_ =	shalt  }
tec
execute0_lowered:
.L_overlay_start_1:
0x0: {  	(tag) =	ssettag $0x1  }
0x1: {  	s0 =	rddreg [dreg:$0x0]  }
0x2: {  	s1 =	rddreg [dreg:$0x1]  }
0x3: {  	s3 =	rddreg [dreg:$0x2]  }
0x4: {  	s2 =	rddreg [dreg:$0x3]  }
0x5: {  	s12 =	rddreg [dreg:$0x4]  }
0x6: {  	s4 =	srdreg.scid;
	s13 =	stileid.u32;
	s5 =	simm.s32 $0x0  }
0x7: {  	s29 =	simm.s32 $0x12600;
	s30 =	simm.s32 $0x2;
	s31 =	simm.s32 $0x3  }
0x8: {  	s28 =	simm.s32 $0x0;
	s4 =	sand.u32 $0x1, s4;
	s6 =	sshll.u32 s13, $0x9  }
0x9: {  	[smem:$0x7FF] =	sst s5;
	s11 =	smul.u32 $0xC000, s13;
	s24 =	sshll.u32 s13, $0x4  }
0xa: {  	s26 =	sshll.u32 s13, $0xC;
	s7 =	sshll.u32 s4, $0x8;
	_ =	strace $0x80000047  }
0xb: {  	s8 =	sshll.u32 s4, $0x4;
	s9 =	ssub.s32 $0x2, s4;
	p0 =	seq.s32 s4, $0x1  }
0xc: {  	s4 =	simm.s32 $0x22006;
	s6 =	sor.u32 s7, s6;
	s10 =	sshrl.u32 s9, $0x1  }
0xd: {  	s8 =	sadd.s32 s8, s1;
	s20 =	sshrl.u32 s11, $0x2;
	s4 =	simm.s32 @!p0 $0x22000  }
0xe: {  	p0 =	sne.s32 s13, $0x0;
	s7 =	sshll.u32 s6, $0x4;
	s6 =	sshrl.u32 s6, $0x3  }
0xf: {  	s9 =	ssub.s32 s9, s10;
	s11 =	sadd.s32 s20, s2;
	s25 =	sadd.s32 $0x32000, s8  }
0x10: {  	s20 =	simm.s32 $0x100;
	s7 =	sadd.s32 s7, s1;
	s6 =	sadd.s32 s3, s6  }
0x11: {  	s22 =	sadd.s32 $0x1800, s11;
	s23 =	sadd.s32 $0x2400, s11;
	[dreg:$0xe] =	wrdreg s25  }
0x12: {  	s17 =	smax.u32 s9, $0x1;
	s1 =	sadd.s32 s4, s1;
	[dreg:$0xb] =	wrdreg s22  }
0x13: {  	s3 =	sadd.s32 $0x10, s6;
	s19 =	sadd.s32 $0x400, s6;
	[dreg:$0xc] =	wrdreg s23  }
0x14: {  	vm0 =	vcmask $0x3F3C;
	s21 =	sadd.s32 $0x410, s6;
	s7 =	sadd.s32 $0x2000, s7;
	[dreg:$0x6] =	wrdreg s3  }
0x15: {  	s18 =	sadd.s32 s26, s1;
	s23 =	simm.s32 $0x1;
	[dreg:$0x7] =	wrdreg s19  }
0x16: {  	s1 =	simm.s32 $0xC200;
	s26 =	simm.s32 $0xC400;
	[dreg:$0x8] =	wrdreg s21  }
0x17: {  	[dreg:$0x9] =	wrdreg s7;
	s3 =	sadd.s32 $0xC00, s11;
	s19 =	simm.s32 $0x80  }
0x18: {  	s21 =	simm.s32 $0x180;
	[dreg:$0xa] =	wrdreg s3;
	s3 =	sadd.s32 s24, s12  }
0x19: {  	v0 =	vimm.f32 $0.0e+00;
	s24 =	simm.s32 $0x5;
	[dreg:$0xd] =	wrdreg s3;
	s3 =	simm.s32 $0x4  }
.LBB2_1:
0x1a: {  	[tilespmem:s5], [sflag:$0x1] =	stream.linear.gather [hbm4b:s6+s5], $0x80, $0x38;
	[tilespmem:$0x16320] =	vst v63  }
0x1b: {  	s4 =	rddreg [dreg:$0x6]  }
0x1c: {  	[tilespmem:s19], [sflag:$0x1] =	stream.linear.gather [hbm4b:s4+s5], $0x80, $0x38;
	[tilespmem:$0x16320] =	vst v63  }
0x1d: {  	s12 =	rddreg [dreg:$0x7]  }
0x1e: {  	[tilespmem:s20], [sflag:$0x1] =	stream.linear.gather [hbm4b:s12+s5], $0x80, $0x38;
	[tilespmem:$0x16320] =	vst v63  }
0x1f: {  	s13 =	rddreg [dreg:$0x8]  }
0x20: {  	[tilespmem:s21], [sflag:$0x1] =	stream.linear.gather [hbm4b:s13+s5], $0x80, $0x38;
	[tilespmem:$0x16320] =	vst v63  }
0x21: {  	s14 =	rddreg [dreg:$0x9];
	s7 =	simm.s32 $0x4200  }
0x22: {  	[tilespmem:s7], [sflag:$0x2] =	stream.linear.gather [hbm4b:s14+s5], $0x8000, $0x38;
	[tilespmem:$0x16320] =	vst v63  }
0x23: {  	_ =	swait.ge [sflag:s23], $0x80  }
0x24: {  	[sflag:s23] =	ssyncset.done $0x0  }
0x25: {  	s15 =	simm.s32 $0x200;
	[sflag:s23] =	ssyncadd.s32 $0xFFFFFF80  }
0x26: {  	[tilespmem:s15], [sflag:$0x3] =	stream.indirect.gather [hbm4b:s0+s19], $0x20, s5, s19, $0xb8;
	[tilespmem:$0x16320] =	vst v63  }
0x27: {  	_ =	swait.ge [sflag:s23], $0x80  }
0x28: {  	[sflag:s23] =	ssyncset.done $0x0  }
0x29: {  	s16 =	simm.s32 $0x1200;
	[sflag:s23] =	ssyncadd.s32 $0xFFFFFF80  }
0x2a: {  	[tilespmem:s16], [sflag:$0x3] =	stream.indirect.gather [hbm4b:s0+s19], $0x20, s19, s19, $0xb8;
	[tilespmem:$0x16320] =	vst v63  }
0x2b: {  	_ =	swait.ge [sflag:s23], $0x80  }
0x2c: {  	[sflag:s23] =	ssyncset.done $0x0  }
0x2d: {  	s22 =	simm.s32 $0x2200;
	[sflag:s23] =	ssyncadd.s32 $0xFFFFFF80  }
0x2e: {  	[tilespmem:s22], [sflag:$0x3] =	stream.indirect.gather [hbm4b:s0+s19], $0x20, s20, s19, $0xb8;
	[tilespmem:$0x16320] =	vst v63  }
0x2f: {  	_ =	swait.ge [sflag:s23], $0x80  }
0x30: {  	s25 =	simm.s32 $0x3200;
	[sflag:s23] =	ssyncset.done $0x0  }
0x31: {  	s4 =	simm.s32 $0xC0;
	s7 =	simm.s32 $0x0;
	[sflag:s23] =	ssyncadd.s32 $0xFFFFFF80  }
0x32: {  	[tilespmem:s25], [sflag:$0x3] =	stream.indirect.gather [hbm4b:s0+s19], $0x20, s21, s19, $0xb8;
	[tilespmem:$0x16320] =	vst v63  }
.LBB2_2:
0x33: {  	p1 =	sne.s32 s4, $0x2F40;
	[tilespmem:s7+$0x12620] =	vst v0;
	s8 =	smov.u32 s4;
	s4 =	sadd.s32 $0xC0, s4  }
.Ltmp0:
0x34: {  	[tilespmem:s7+$0x12600] =	vst v0;
	(pc) =	sbr.rel @p1 .LBB2_2-.Ltmp0, $2  }
0x35: {  	[tilespmem:s7+$0x12610] =	vst v0;
	_ =	sdelay $0x2  }
0x36: {  	s7 =	sshra.s32 s8, $0x2  }
0x37: {  	[tilespmem:s7+$0x12620] =	vst v0  }
0x38: {  	[tilespmem:s7+$0x12600] =	vst v0  }
0x39: {  	[tilespmem:s7+$0x12610] =	vst v0  }
0x3a: {  	[spmem:s11] =	stream.linear.scatter [tilespmem:s29], [sflag:$0x4], $0xC00, $0x38;
	[tilespmem:$0x16320] =	vst v63  }
0x3b: {  	s4 =	rddreg [dreg:$0xa]  }
0x3c: {  	[spmem:s4] =	stream.linear.scatter [tilespmem:s29], [sflag:$0x4], $0xC00, $0x38;
	[tilespmem:$0x16320] =	vst v63  }
0x3d: {  	s14 =	rddreg [dreg:$0xb]  }
0x3e: {  	[spmem:s14] =	stream.linear.scatter [tilespmem:s29], [sflag:$0x4], $0xC00, $0x38;
	[tilespmem:$0x16320] =	vst v63  }
0x3f: {  	s15 =	rddreg [dreg:$0xc]  }
0x40: {  	[spmem:s15] =	stream.linear.scatter [tilespmem:s29], [sflag:$0x4], $0xC00, $0x38;
	[tilespmem:$0x16320] =	vst v63  }
0x41: {  	_ =	swait.ge [sflag:s30], $0x8000  }
0x42: {  	[sflag:s30] =	ssyncset.done $0x0  }
0x43: {  	[sflag:s30] =	ssyncadd.s32 $0xFFFF8000  }
0x44: {  	_ =	swait.ge [sflag:s31], $0x1000  }
0x45: {  	[sflag:s31] =	ssyncset.done $0x0  }
0x46: {  	[sflag:s31] =	ssyncadd.s32 $0xFFFFF000  }
0x47: {  	_ =	swait.ge [sflag:s31], $0x1000  }
0x48: {  	[sflag:s31] =	ssyncset.done $0x0  }
0x49: {  	[sflag:s31] =	ssyncadd.s32 $0xFFFFF000  }
0x4a: {  	_ =	swait.ge [sflag:s31], $0x1000  }
0x4b: {  	[sflag:s31] =	ssyncset.done $0x0  }
0x4c: {  	[sflag:s31] =	ssyncadd.s32 $0xFFFFF000  }
0x4d: {  	_ =	swait.ge [sflag:s31], $0x1000  }
0x4e: {  	s16 =	simm.s32 $0x40;
	[sflag:s31] =	ssyncset.done $0x0  }
0x4f: {  	s8 =	simm.s32 $0x180;
	s4 =	simm.s32 $0x0;
	[sflag:s31] =	ssyncadd.s32 $0xFFFFF000  }
0x50: {  	s8 =	sand.u32 $0x7F80, s8;
	s9 =	sand.u32 $0x40, s4;
	v1 =	vld [tilespmem:s16+$0x220]  }
0x51: {  	s10 =	simm.s32 $0x0;
	s8 =	sor.u32 s9, s8;
	v2 =	vld [tilespmem:s16+$0x230]  }
0x52: {  	s10 =	sand.u32 $0x7E00, s10;
	v3 =	vld [tilespmem:s8+$0x4200]  }
0x53: {  	s10 =	sor.u32 s9, s10;
	v4 =	vld [tilespmem:s8+$0x4210]  }
0x54: {  	v5 =	vld [tilespmem:s10+$0x4200]  }
0x55: {  	v6 =	vld [tilespmem:s10+$0x4210]  }
0x56: {  	v11 =	vld [tilespmem:s16+$0x1C0]  }
0x57: {  	v12 =	vld [tilespmem:s16+$0x1D0]  }
0x58: {  	s12 =	simm.s32 $0x80;
	v13 =	vld [tilespmem:s16+$0x1E0]  }
0x59: {  	s22 =	sand.u32 $0x7E80, s12;
	v14 =	vld [tilespmem:s16+$0x1F0]  }
0x5a: {  	s25 =	simm.s32 $0x100;
	s8 =	sor.u32 s9, s22;
	v15 =	vld [tilespmem:s16+$0x200]  }
0x5b: {  	s12 =	sand.u32 $0x7F00, s25;
	v7 =	vld [tilespmem:s8+$0x4200]  }
0x5c: {  	s9 =	sor.u32 s9, s12;
	v8 =	vld [tilespmem:s8+$0x4210];
	v1 =	vmul.f32 v3, v1;
	v2 =	vmul.f32 v4, v2  }
0x5d: {  	s13 =	simm.s32 $0x380;
	s14 =	simm.s32 $0x1;
	v9 =	vld [tilespmem:s9+$0x4200]  }
0x5e: {  	s7 =	sand.u32 $0x40, s14;
	v10 =	vld [tilespmem:s9+$0x4210];
	s9 =	simm.s32 $0xC0;
	s8 =	sand.u32 $0x7F80, s13;
	v3 =	vmul.f32 v6, v12;
	v1 =	vadd.f32 v2, v1;
	v2 =	vmul.f32 v5, v11  }
0x5f: {  	s8 =	sor.u32 s7, s8;
	v6 =	vld [tilespmem:s9+$0x230]  }
0x60: {  	(xrf2) =	vadd.scan.msk.f32 $0xffff, v1;
	v1 =	vadd.f32 v3, v2;
	v2 =	vld [tilespmem:s8+$0x4210]  }
0x61: {  	s15 =	simm.s32 $0x200;
	v16 =	vld [tilespmem:s16+$0x210]  }
0x62: {  	s10 =	sand.u32 $0x7E00, s15;
	v17 =	vld [tilespmem:s9+$0x220]  }
0x63: {  	s10 =	sor.u32 s7, s10;
	v7 =	vmul.f32 v7, v13;
	v8 =	vmul.f32 v8, v14;
	v11 =	vld [tilespmem:s8+$0x4200]  }
0x64: {  	v18 =	vld [tilespmem:s10+$0x4210];
	(xrf2) =	vadd.scan.msk.f32 $0xffff, v1  }
0x65: {  	v12 =	vld [tilespmem:s10+$0x4200];
	v2 =	vmul.f32 v2, v6;
	v6 =	vadd.f32 v8, v7  }
0x66: {  	s16 =	simm.s32 $0x280;
	v9 =	vmul.f32 v9, v15;
	v10 =	vmul.f32 v10, v16;
	v13 =	vld [tilespmem:s9+$0x1C0]  }
0x67: {  	s22 =	sand.u32 $0x7E80, s16;
	v15 =	vld [tilespmem:s9+$0x1D0];
	(xrf2) =	vadd.scan.msk.f32 $0xffff, v6  }
0x68: {  	s25 =	simm.s32 $0x300;
	v16 =	vadd.f32 v10, v9;
	v10 =	vld [tilespmem:s9+$0x1F0];
	s8 =	sor.u32 s7, s22;
	v11 =	vmul.f32 v11, v17  }
0x69: {  	s15 =	simm.s32 $0x1;
	s13 =	sand.u32 $0x7F00, s25;
	v5 =	vld [tilespmem:s8+$0x4200];
	v7 =	vmov s4  }
0x6a: {  	s14 =	simm.s32 $0x3;
	s7 =	sor.u32 s7, s13;
	v4 =	vld [tilespmem:s8+$0x4210];
	v7 =	vand.u32 $0xFFFFFFFC, v7;
	v2 =	vadd.f32 v2, v11;
	v11 =	vmov s15  }
0x6b: {  	v14 =	vmov s14;
	v3 =	vld [tilespmem:s7+$0x4200];
	v6 =	vbroadcast v7, $0x0;
	v7 =	vand.u32 $0xFFFFFFFD, v11  }
0x6c: {  	v8 =	vld [tilespmem:s9+$0x1E0];
	v9, _, _ =	vpop (xrf2);
	(xrf2) =	vadd.scan.msk.f32 $0xffff, v2  }
0x6d: {  	s25 =	simm.s32 $0x4;
	v1 =	vld [tilespmem:s7+$0x4210]  }
0x6e: {  	s16 =	simm.s32 $0x580;
	s10 =	simm.s32 $0xC;
	s22 =	simm.s32 $0x8;
	v2 =	vbroadcast v7, $0x0;
	v63 =	vmul.f32 $1.767766920e-01, v9;
	v9 =	vld [tilespmem:s9+$0x200];
	v7, _, _ =	vpop (xrf2)  }
0x6f: {  	s13 =	sand.u32 $0x7F80, s16;
	v13 =	vmul.f32 v12, v13;
	v12 =	vld [tilespmem:s9+$0x210];
	s4 =	simm.s32 $0x140;
	s9 =	simm.s32 $0x2;
	(xrf2) =	vadd.scan.msk.f32 $0xffff, v16;
	v7 =	vmul.f32 $1.767766920e-01, v7  }
0x70: {  	s8 =	simm.s32 $0x2;
	s7 =	simm.s32 $0x500;
	v11 =	vld [tilespmem:s4+$0x220];
	s12 =	sand.u32 $0x40, s9;
	[tilespmem:v14+s1+$0x0] =	vst.idx.msk vm0, v63;
	v14 =	vmul.f32 v18, v15  }
.LBB2_4:
0x71: {  	p1 =	slt.u32 s10, $0x1FC;
	s14 =	sadd.s32 $0xFFFFFF00, s7;
	s13 =	sor.u32 s12, s13;
	v15 =	vld [tilespmem:s4+$0x230];
	v5 =	vmul.f32 v5, v8;
	[tilespmem:v6+s1+$0x0] =	vst.idx.msk vm0, v7;
	v6, _, _ =	vpop (xrf2)  }
0x72: {  	s15 =	sadd.s32 $0xFFFFFF80, s7;
	s16 =	sand.u32 $0x7F00, s7;
	s14 =	sand.u32 $0x7E00, s14;
	v7 =	vld [tilespmem:s13+$0x4200];
	v8 =	vadd.f32 v14, v13;
	v4 =	vmul.f32 v4, v10  }
0x73: {  	s15 =	sand.u32 $0x7E80, s15;
	v6 =	vmul.f32 $1.767766920e-01, v6;
	s14 =	sor.u32 s12, s14;
	v10 =	vld [tilespmem:s13+$0x4210];
	v3 =	vmul.f32 v3, v9;
	s13 =	sadd.s32 $0x3, s25;
	v9 =	vmov s8  }
0x74: {  	s8 =	sor.u32 s12, s15;
	s12 =	sor.u32 s12, s16;
	v13 =	vld [tilespmem:s14+$0x4200];
	v14 =	vadd.f32 v4, v5;
	v4 =	vmul.f32 v1, v12;
	v12 =	vmov s13;
	(xrf2) =	vadd.scan.msk.f32 $0xffff, v8;
	s13 =	smov.u32 s22  }
0x75: {  	s22 =	smov.u32 s10;
	v16 =	vld [tilespmem:s14+$0x4210];
	[tilespmem:v2+s1+$0x0] =	vst.idx.msk vm0, v6;
	v2 =	vand.u32 $0xFFFFFFFE, v9  }
0x76: {  	v5 =	vld [tilespmem:s8+$0x4200];
	v17 =	vadd.f32 v4, v3;
	v1, _, _ =	vpop (xrf2);
	v2 =	vbroadcast v2, $0x0  }
0x77: {  	v4 =	vld [tilespmem:s8+$0x4210];
	v18 =	vmul.f32 $1.767766920e-01, v1;
	(xrf2) =	vadd.scan.msk.f32 $0xffff, v14  }
0x78: {  	v7 =	vmul.f32 v7, v11;
	v3 =	vld [tilespmem:s12+$0x4200];
	v8 =	vmul.f32 v10, v15  }
0x79: {  	v9 =	vmov s25;
	v1 =	vld [tilespmem:s12+$0x4210];
	[tilespmem:v12+s1+$0x0] =	vst.idx.msk vm0, v18;
	v6, _, _ =	vpop (xrf2)  }
0x7a: {  	v11 =	vld [tilespmem:s4+$0x1C0];
	v7 =	vadd.f32 v8, v7;
	v8 =	vand.u32 $0xFFFFFFFC, v9;
	v9 =	vmul.f32 $1.767766920e-01, v6  }
0x7b: {  	s8 =	sadd.s32 $0x1, s25;
	v14 =	vld [tilespmem:s4+$0x1D0];
	v6 =	vbroadcast v8, $0x0  }
.Ltmp1:
0x7c: {  	v12 =	vmov s8;
	v8 =	vld [tilespmem:s4+$0x1E0];
	(xrf2) =	vadd.scan.msk.f32 $0xffff, v7;
	[tilespmem:v2+s1+$0x0] =	vst.idx.msk vm0, v9;
	(pc) =	sbr.rel @p1 .LBB2_4-.Ltmp1, $4  }
0x7d: {  	v2 =	vand.u32 $0xFFFFFFFD, v12;
	v10 =	vld [tilespmem:s4+$0x1F0]  }
0x7e: {  	s7 =	sadd.s32 $0x200, s7;
	s8 =	sadd.s32 $0x2, s25;
	s25 =	smov.u32 s13;
	v2 =	vbroadcast v2, $0x0;
	v9 =	vld [tilespmem:s4+$0x200];
	v7, _, _ =	vpop (xrf2)  }
0x7f: {  	s9 =	sadd.s32 $0x1, s9;
	s13 =	sadd.s32 $0x80, s7;
	v13 =	vmul.f32 v13, v11;
	v12 =	vld [tilespmem:s4+$0x210];
	s4 =	sshra.s32 s7, $0x2;
	v7 =	vmul.f32 $1.767766920e-01, v7;
	(xrf2) =	vadd.scan.msk.f32 $0xffff, v17  }
0x80: {  	s10 =	sadd.s32 $0x4, s10;
	s12 =	sand.u32 $0x40, s9;
	s13 =	sand.u32 $0x7F80, s13;
	v11 =	vld [tilespmem:s4+$0x220];
	v14 =	vmul.f32 v16, v14  }
0x81: {  	v15 =	vld [tilespmem:s4+$0x230]  }
0x82: {  	v24 =	vld [tilespmem:s4+$0x1C0]  }
0x83: {  	v25 =	vld [tilespmem:s4+$0x1D0]  }
0x84: {  	v26 =	vld [tilespmem:s4+$0x1E0]  }
0x85: {  	v48 =	vld [tilespmem:s4+$0x1F0]  }
0x86: {  	v27 =	vld [tilespmem:s4+$0x200]  }
0x87: {  	s10 =	sor.u32 s12, s13;
	v5 =	vmul.f32 v5, v8;
	v8 =	vld [tilespmem:s4+$0x210]  }
0x88: {  	s9 =	sadd.s32 $0xFFFFFF00, s7;
	s14 =	sand.u32 $0x7F00, s7;
	v16 =	vld [tilespmem:s10+$0x4200]  }
0x89: {  	s16 =	sadd.s32 $0xFFFFFF80, s7;
	s9 =	sand.u32 $0x7E00, s9;
	v17 =	vld [tilespmem:s10+$0x4210];
	s7 =	sor.u32 s12, s14  }
0x8a: {  	s9 =	sor.u32 s12, s9;
	v22 =	vld [tilespmem:s7+$0x4200]  }
0x8b: {  	s13 =	sand.u32 $0x7E80, s16;
	v18 =	vld [tilespmem:s9+$0x4200]  }
0x8c: {  	s10 =	sor.u32 s12, s13;
	v19 =	vld [tilespmem:s9+$0x4210]  }
0x8d: {  	v4 =	vmul.f32 v4, v10;
	v20 =	vld [tilespmem:s10+$0x4200]  }
0x8e: {  	v13 =	vadd.f32 v14, v13;
	v21 =	vld [tilespmem:s10+$0x4210];
	v49 =	vmul.f32 v16, v11;
	v50 =	vmul.f32 v17, v15  }
0x8f: {  	v23 =	vld [tilespmem:s7+$0x4210];
	v3 =	vmul.f32 v3, v9;
	v4 =	vadd.f32 v4, v5;
	v1 =	vmul.f32 v1, v12  }
0x90: {  	(xrf2) =	vadd.scan.msk.f32 $0xffff, v13;
	v5 =	vadd.f32 v50, v49  }
0x91: {  	v1 =	vadd.f32 v1, v3;
	(xrf2) =	vadd.scan.msk.f32 $0xffff, v4  }
0x92: {  	v51 =	vmul.f32 v18, v24;
	v52 =	vmul.f32 v19, v25;
	(xrf2) =	vadd.scan.msk.f32 $0xffff, v5  }
0x93: {  	v54, _, _ =	vpop (xrf2);
	v55 =	vmov s8;
	v3 =	vmul.f32 v20, v26;
	v4 =	vmul.f32 v21, v48;
	(xrf2) =	vadd.scan.msk.f32 $0xffff, v1  }
0x94: {  	s16 =	sadd.s32 $0x1, s25;
	v53 =	vmul.f32 v22, v27;
	v8 =	vmul.f32 v23, v8;
	v5 =	vadd.f32 v52, v51  }
0x95: {  	s15 =	sadd.s32 $0x3, s25;
	v59 =	vmov s16;
	v1 =	vadd.f32 v4, v3;
	v4 =	vand.u32 $0xFFFFFFFE, v55  }
0x96: {  	(xrf2) =	vadd.scan.msk.f32 $0xffff, v5;
	v5 =	vadd.f32 v8, v53;
	v8 =	vmov s15;
	v4 =	vbroadcast v4, $0x0  }
0x97: {  	v57 =	vmov s25;
	v56, _, _ =	vpop (xrf2);
	v11 =	vand.u32 $0xFFFFFFFD, v59;
	(xrf2) =	vadd.scan.msk.f32 $0xffff, v1  }
0x98: {  	v10 =	vand.u32 $0xFFFFFFFC, v57;
	s7 =	sadd.s32 $0x2, s25;
	v11 =	vbroadcast v11, $0x0;
	v58, _, _ =	vpop (xrf2);
	v3 =	vmul.f32 $1.767766920e-01, v54;
	(xrf2) =	vadd.scan.msk.f32 $0xffff, v5  }
0x99: {  	[tilespmem:v6+s1+$0x0] =	vst.idx.msk vm0, v7;
	v10 =	vbroadcast v10, $0x0;
	v60 =	vmov s7;
	v1 =	vmul.f32 $1.767766920e-01, v56  }
0x9a: {  	s8 =	sadd.s32 $0x3, s22;
	v61 =	vmov s22;
	v7 =	vand.u32 $0xFFFFFFFE, v60;
	v9 =	vmul.f32 $1.767766920e-01, v58;
	[tilespmem:v2+s1+$0x0] =	vst.idx.msk vm0, v3;
	v5, _, _ =	vpop (xrf2)  }
0x9b: {  	v6 =	vmov s8;
	s9 =	sadd.s32 $0x1, s22;
	v2 =	vbroadcast v7, $0x0;
	v3 =	vand.u32 $0xFFFFFFFC, v61;
	v62, _, _ =	vpop (xrf2);
	[tilespmem:v8+s1+$0x0] =	vst.idx.msk vm0, v1  }
0x9c: {  	s10 =	sadd.s32 $0x2, s22;
	v7 =	vmov s9;
	v5 =	vmul.f32 $1.767766920e-01, v5;
	[tilespmem:v4+s1+$0x0] =	vst.idx.msk vm0, v9;
	v4 =	vmul.f32 $1.767766920e-01, v62;
	v8, _, _ =	vpop (xrf2)  }
0x9d: {  	v1 =	vbroadcast v3, $0x0;
	v3 =	vand.u32 $0xFFFFFFFD, v7;
	v7 =	vmov s10;
	v63, _, _ =	vpop (xrf2)  }
0x9e: {  	v3 =	vbroadcast v3, $0x0;
	v7 =	vand.u32 $0xFFFFFFFE, v7;
	[tilespmem:v11+s1+$0x0] =	vst.idx.msk vm0, v4;
	v4 =	vmul.f32 $1.767766920e-01, v63  }
0x9f: {  	[tilespmem:v10+s1+$0x0] =	vst.idx.msk vm0, v5;
	v7 =	vbroadcast v7, $0x0;
	v5 =	vmul.f32 $1.767766920e-01, v8  }
0xa0: {  	v8, _, _ =	vpop (xrf2)  }
0xa1: {  	[tilespmem:v6+s1+$0x0] =	vst.idx.msk vm0, v5;
	v5 =	vmul.f32 $1.767766920e-01, v8;
	v6, _, _ =	vpop (xrf2)  }
0xa2: {  	[tilespmem:v2+s1+$0x0] =	vst.idx.msk vm0, v4;
	v2 =	vmul.f32 $1.767766920e-01, v6;
	v4, _, _ =	vpop (xrf2)  }
0xa3: {  	[tilespmem:v1+s1+$0x0] =	vst.idx.msk vm0, v5;
	v1 =	vmul.f32 $1.767766920e-01, v4  }
0xa4: {  	[tilespmem:v3+s1+$0x0] =	vst.idx.msk vm0, v2  }
0xa5: {  	[tilespmem:v7+s1+$0x0] =	vst.idx.msk vm0, v1  }
0xa6: {  	v1 =	vld [tilespmem:$0xC200]  }
0xa7: {  	v2 =	vld [tilespmem:$0xC210]  }
0xa8: {  	v3 =	vld [tilespmem:$0xC220]  }
0xa9: {  	v4 =	vld [tilespmem:$0xC230]  }
0xaa: {  	v5 =	vld [tilespmem:$0xC240]  }
0xab: {  	v6 =	vld [tilespmem:$0xC250]  }
0xac: {  	v1 =	vmax.f32 v1, v2;
	v2 =	vld [tilespmem:$0xC260]  }
0xad: {  	v1 =	vmax.f32 v1, v3;
	v3 =	vld [tilespmem:$0xC270]  }
0xae: {  	v1 =	vmax.f32 v1, v4;
	v4 =	vld [tilespmem:$0xC280]  }
0xaf: {  	v1 =	vmax.f32 v1, v5;
	v5 =	vld [tilespmem:$0xC290]  }
0xb0: {  	v1 =	vmax.f32 v1, v6;
	v6 =	vld [tilespmem:$0xC2A0]  }
0xb1: {  	v1 =	vmax.f32 v1, v2;
	v2 =	vld [tilespmem:$0xC2B0]  }
0xb2: {  	v1 =	vmax.f32 v1, v3;
	v3 =	vld [tilespmem:$0xC2C0]  }
0xb3: {  	v1 =	vmax.f32 v1, v4;
	v4 =	vld [tilespmem:$0xC2D0]  }
0xb4: {  	v1 =	vmax.f32 v1, v5;
	v5 =	vld [tilespmem:$0xC2E0]  }
0xb5: {  	v1 =	vmax.f32 v1, v6;
	v6 =	vld [tilespmem:$0xC2F0]  }
0xb6: {  	v1 =	vmax.f32 v1, v2;
	v2 =	vld [tilespmem:$0xC300]  }
0xb7: {  	v1 =	vmax.f32 v1, v3;
	v3 =	vld [tilespmem:$0xC310]  }
0xb8: {  	v1 =	vmax.f32 v1, v4;
	v4 =	vld [tilespmem:$0xC320]  }
0xb9: {  	v1 =	vmax.f32 v1, v5;
	v5 =	vld [tilespmem:$0xC330]  }
0xba: {  	v1 =	vmax.f32 v1, v6;
	v6 =	vld [tilespmem:$0xC340]  }
0xbb: {  	v1 =	vmax.f32 v1, v2;
	v2 =	vld [tilespmem:$0xC350]  }
0xbc: {  	v1 =	vmax.f32 v1, v3;
	v3 =	vld [tilespmem:$0xC360]  }
0xbd: {  	v1 =	vmax.f32 v1, v4;
	v4 =	vld [tilespmem:$0xC370]  }
0xbe: {  	v1 =	vmax.f32 v1, v5;
	v5 =	vld [tilespmem:$0xC380]  }
0xbf: {  	v1 =	vmax.f32 v1, v6;
	v6 =	vld [tilespmem:$0xC390]  }
0xc0: {  	v1 =	vmax.f32 v1, v2;
	v2 =	vld [tilespmem:$0xC3A0]  }
0xc1: {  	v1 =	vmax.f32 v1, v3;
	v3 =	vld [tilespmem:$0xC3B0]  }
0xc2: {  	v1 =	vmax.f32 v1, v4;
	v4 =	vld [tilespmem:$0xC3C0]  }
0xc3: {  	v1 =	vmax.f32 v1, v5;
	v5 =	vld [tilespmem:$0xC3D0]  }
0xc4: {  	v1 =	vmax.f32 v1, v6;
	v6 =	vld [tilespmem:$0xC3E0]  }
0xc5: {  	v1 =	vmax.f32 v1, v2;
	v2 =	vld [tilespmem:$0xC3F0]  }
0xc6: {  	v1 =	vmax.f32 v1, v3  }
0xc7: {  	v1 =	vmax.f32 v1, v4  }
0xc8: {  	v1 =	vmax.f32 v1, v5  }
0xc9: {  	v1 =	vmax.f32 v1, v6  }
0xca: {  	v1 =	vmax.f32 v1, v2  }
0xcb: {  	(xrf0) =	vmax.scan.msk.f32 $0xffff, v1;
	_ =	sdelay $0x5  }
0xcc: {  	v1, _, _ =	vpop (xrf0)  }
0xcd: {  	v1 =	vbroadcast v1, $0xF;
	_ =	sdelay $0x1  }
0xce: {  	s13 =	simm.s32 $0x13200;
	s12 =	rddreg [dreg:$0xd];
	[tilespmem:$0x13200] =	vst v1  }
0xcf: {  	[spmem:s12] =	stream.linear.scatter [tilespmem:s13], [sflag:$0x5], $0x10, $0x38;
	[tilespmem:$0x16320] =	vst v63  }
0xd0: {  	_ =	swait.ge [sflag:s24], $0x10  }
0xd1: {  	[sflag:s24] =	ssyncset.done $0x0  }
0xd2: {  	[sflag:s24] =	ssyncadd.s32 $0xFFFFFFF0  }
0xd3: {  	[bflag:$0x0] =	sbarrier.arrive $0xFFFF  }
0xd4: {  	s15 =	simm.s32 $0x13210;
	s14 =	rddreg [dreg:$0x4]  }
0xd5: {  	[tilespmem:s15], [sflag:$0x5] =	stream.linear.gather [spmem:s14], $0x100, $0x38;
	[tilespmem:$0x16320] =	vst v63  }
0xd6: {  	_ =	swait.ge [sflag:s24], $0x100  }
0xd7: {  	[sflag:s24] =	ssyncset.done $0x0  }
0xd8: {  	[sflag:s24] =	ssyncadd.s32 $0xFFFFFF00  }
0xd9: {  	v1 =	vld [tilespmem:$0x13210]  }
0xda: {  	v2 =	vld [tilespmem:$0x13220]  }
0xdb: {  	v3 =	vld [tilespmem:$0x13230]  }
0xdc: {  	v4 =	vld [tilespmem:$0x13240]  }
0xdd: {  	v5 =	vld [tilespmem:$0x13250]  }
0xde: {  	v6 =	vld [tilespmem:$0x13260]  }
0xdf: {  	v1 =	vmax.f32 v1, v2;
	v2 =	vld [tilespmem:$0x13270]  }
0xe0: {  	v1 =	vmax.f32 v1, v3;
	v3 =	vld [tilespmem:$0x13280]  }
0xe1: {  	v1 =	vmax.f32 v1, v4;
	v4 =	vld [tilespmem:$0x13290]  }
0xe2: {  	v1 =	vmax.f32 v1, v5;
	v5 =	vld [tilespmem:$0x132A0]  }
0xe3: {  	v1 =	vmax.f32 v1, v6;
	v6 =	vld [tilespmem:$0x132B0]  }
0xe4: {  	v1 =	vmax.f32 v1, v2;
	v2 =	vld [tilespmem:$0x132C0]  }
0xe5: {  	v1 =	vmax.f32 v1, v3;
	v3 =	vld [tilespmem:$0x132D0]  }
0xe6: {  	v1 =	vmax.f32 v1, v4;
	v4 =	vld [tilespmem:$0x132E0]  }
0xe7: {  	v1 =	vmax.f32 v1, v5;
	v5 =	vld [tilespmem:$0x132F0]  }
0xe8: {  	v1 =	vmax.f32 v1, v6;
	v6 =	vld [tilespmem:$0x13300]  }
0xe9: {  	v1 =	vmax.f32 v1, v2  }
0xea: {  	v1 =	vmax.f32 v1, v3  }
0xeb: {  	v1 =	vmax.f32 v1, v4  }
0xec: {  	v1 =	vmax.f32 v1, v5  }
0xed: {  	v1 =	vmax.f32 v1, v6  }
0xee: {  	s4 =	simm.s32 @!p0 $0x0;
	s7 =	simm.s32 @!p0 $0x13200;
	s8 =	rddreg [dreg:$0xe];
	[tilespmem:$0x13200] =	vst @!p0 v1  }
0xef: {  	[hbm4b:s8+s4] =	stream.linear.scatter @!p0 [tilespmem:s7], [sflag:$0x5], $0x10, $0x38;
	[tilespmem:$0x16320] =	vst v63  }
0xf0: {  	s4 =	simm.s32 @!p0 $0x5  }
0xf1: {  	_ =	swait.ge @!p0 [sflag:s4], $0x10  }
0xf2: {  	[sflag:s4] =	ssyncset.done @!p0 $0x0  }
0xf3: {  	s16 =	simm.s32 $0xC210;
	[sflag:s4] =	ssyncadd.s32 @!p0 $0xFFFFFFF0  }
0xf4: {  	v2 =	vld [tilespmem:s16+$0xFFFFFFF0];
	_ =	sdelay $0x1  }
0xf5: {  	v3 =	vld [tilespmem:s16+$0x0];
	_ =	sdelay $0x2  }
0xf6: {  	v2 =	vsub.f32 v2, v1;
	_ =	sdelay $0x1  }
0xf7: {  	s22 =	simm.s32 $0xC230;
	v3 =	vsub.f32 v3, v1;
	v2 =	vmul.f32 $1.442695020e+00, v2  }
0xf8: {  	v4 =	vld [tilespmem:s22+$0xFFFFFFF0]  }
0xf9: {  	v3 =	vmul.f32 $1.442695020e+00, v3;
	(erf) = vpow2.f32 v2;
	v2 =	vld [tilespmem:s22+$0x0];
	_ =	sdelay $0x1  }
0xfa: {  	(erf) = vpow2.f32 v3  }
0xfb: {  	s25 =	simm.s32 $0xC250  }
0xfc: {  	v4 =	vsub.f32 v4, v1;
	v3 =	vld [tilespmem:s25+$0xFFFFFFF0]  }
0xfd: {  	v2 =	vsub.f32 v2, v1  }
0xfe: {  	v5 =	vld [tilespmem:s25+$0x0];
	v4 =	vmul.f32 $1.442695020e+00, v4  }
0xff: {  	v6 =	vmul.f32 $1.442695020e+00, v2  }
0x100: {  	(erf) = vpow2.f32 v4  }
0x101: {  	s7 =	simm.s32 $0xC270;
	v7 =	vsub.f32 v3, v1;
	v8 =	vpop (erf);
	(erf) = vpow2.f32 v6  }
0x102: {  	s4 =	simm.s32 $0xC410;
	v3 =	vld [tilespmem:s7+$0x0]  }
0x103: {  	s8 =	simm.s32 $0x6;
	v5 =	vsub.f32 v5, v1;
	v2 =	vld [tilespmem:s7+$0xFFFFFFF0];
	v4 =	vmul.f32 $1.442695020e+00, v7;
	[tilespmem:s4+$0xFFFFFFF0] =	vst v8;
	v6 =	vpop (erf)  }
.LBB2_6:
0x104: {  	s8 =	sadd.s32 $0x2, s8  }
0x105: {  	v5 =	vmul.f32 $1.442695020e+00, v5;
	[tilespmem:s4+$0x0] =	vst v6;
	s4 =	sadd.s32 $0x20, s4;
	p1 =	slt.u32 s8, $0x1E  }
.Ltmp2:
0x106: {  	(erf) = vpow2.f32 v4;
	(pc) =	sbr.rel @p1 .LBB2_6-.Ltmp2, $4  }
0x107: {  	(erf) = vpow2.f32 v5  }
0x108: {  	s7 =	sadd.s32 $0x20, s7;
	v4 =	vsub.f32 v2, v1  }
0x109: {  	v2 =	vld [tilespmem:s7+$0xFFFFFFF0];
	v5 =	vsub.f32 v3, v1;
	v6 =	vpop (erf)  }
0x10a: {  	v3 =	vld [tilespmem:s7+$0x0];
	v4 =	vmul.f32 $1.442695020e+00, v4;
	[tilespmem:s4+$0xFFFFFFF0] =	vst v6;
	v6 =	vpop (erf)  }
0x10b: {  	_ =	sdelay $0x2  }
0x10c: {  	v2 =	vsub.f32 v2, v1  }
0x10d: {  	v5 =	vmul.f32 $1.442695020e+00, v5;
	v1 =	vsub.f32 v3, v1  }
0x10e: {  	(erf) = vpow2.f32 v4;
	v2 =	vmul.f32 $1.442695020e+00, v2  }
0x10f: {  	(erf) = vpow2.f32 v5;
	v1 =	vmul.f32 $1.442695020e+00, v1  }
0x110: {  	(erf) = vpow2.f32 v2  }
0x111: {  	(erf) = vpow2.f32 v1;
	_ =	sdelay $0x3  }
0x112: {  	[tilespmem:s4+$0x0] =	vst v6;
	s9 =	sadd.s32 $0x20, s4;
	v1 =	vpop (erf)  }
0x113: {  	v2 =	vpop (erf);
	[tilespmem:s9+$0xFFFFFFF0] =	vst v1  }
0x114: {  	s4 =	sadd.s32 $0x20, s9;
	[tilespmem:s9+$0x0] =	vst v2;
	v1 =	vpop (erf)  }
0x115: {  	[tilespmem:s4+$0xFFFFFFF0] =	vst v1;
	v1 =	vpop (erf)  }
0x116: {  	[tilespmem:s4+$0x0] =	vst v1;
	s4 =	sadd.s32 $0x20, s4;
	v1 =	vpop (erf)  }
0x117: {  	[tilespmem:s4+$0xFFFFFFF0] =	vst v1;
	v1 =	vpop (erf)  }
0x118: {  	[tilespmem:s4+$0x0] =	vst v1  }
0x119: {  	_ =	swait.ge [sflag:s3], $0xC00  }
0x11a: {  	[sflag:s3] =	ssyncset.done $0x0  }
0x11b: {  	[sflag:s3] =	ssyncadd.s32 $0xFFFFF400  }
0x11c: {  	_ =	swait.ge [sflag:s3], $0xC00  }
0x11d: {  	s10 =	simm.s32 $0x0;
	[sflag:s3] =	ssyncset.done $0x0  }
0x11e: {  	s12 =	simm.s32 $0x1;
	v1 =	vmov s10;
	[sflag:s3] =	ssyncadd.s32 $0xFFFFF400  }
0x11f: {  	s13 =	simm.s32 $0x2;
	v2 =	vmov s12;
	v1 =	vand.u32 $0xFFFFFFFC, v1;
	_ =	swait.ge [sflag:s3], $0xC00  }
0x120: {  	v3 =	vmov s13;
	v2 =	vand.u32 $0xFFFFFFFD, v2;
	v1 =	vbroadcast v1, $0x0;
	[sflag:s3] =	ssyncset.done $0x0  }
0x121: {  	v3 =	vand.u32 $0xFFFFFFFE, v3;
	v2 =	vbroadcast v2, $0x0;
	[sflag:s3] =	ssyncadd.s32 $0xFFFFF400  }
0x122: {  	v3 =	vbroadcast v3, $0x0;
	_ =	swait.ge [sflag:s3], $0xC00  }
0x123: {  	[sflag:s3] =	ssyncset.done $0x0  }
0x124: {  	[sflag:s3] =	ssyncadd.s32 $0xFFFFF400  }
0x125: {  	[bflag:$0x0] =	sbarrier.arrive $0xFFFF  }
0x126: {  	s14 =	simm.s32 $0x3;
	v16 =	vld.idx.msk [tilespmem:v1+s26+$0x0], $0xffff  }
0x127: {  	s15 =	simm.s32 $0x5;
	v1 =	vmov s14;
	v4 =	vld.idx.msk [tilespmem:v2+s26+$0x0], $0xffff  }
0x128: {  	v5 =	vmov s15;
	s4 =	simm.s32 $0x4320;
	v13 =	vld.idx.msk [tilespmem:v3+s26+$0x0], $0xffff  }
0x129: {  	s16 =	simm.s32 $0x7;
	v3 =	vand.u32 $0xFFFFFFFD, v5;
	v6 =	vld [tilespmem:s4+$0x0]  }
0x12a: {  	v5 =	vmov s16;
	v8 =	vld [tilespmem:s4+$0xFFFFFF00];
	v7 =	vbroadcast v3, $0x0  }
0x12b: {  	s22 =	simm.s32 $0x6;
	v9 =	vld [tilespmem:s4+$0xFFFFFF80]  }
0x12c: {  	v3 =	vld.idx.msk [tilespmem:v1+s26+$0x0], $0xffff;
	v1 =	vmov s22  }
0x12d: {  	s7 =	simm.s32 $0x4;
	v10 =	vld [tilespmem:s4+$0x80];
	s22 =	simm.s32 $0x4520;
	v1 =	vand.u32 $0xFFFFFFFE, v1  }
0x12e: {  	v2 =	vmov s7;
	v6 =	vmul.f32 v6, v13;
	v12 =	vld [tilespmem:s22+$0xFFFFFF00];
	v11 =	vbroadcast v1, $0x0  }
0x12f: {  	s7 =	simm.s32 $0xC660;
	v2 =	vand.u32 $0xFFFFFFFC, v2;
	v8 =	vmul.f32 v8, v16;
	v1 =	vld.idx.msk [tilespmem:v5+s26+$0x0], $0xffff  }
0x130: {  	v2 =	vbroadcast v2, $0x0;
	v5 =	vld.idx.msk [tilespmem:v7+s26+$0x0], $0xffff;
	v7 =	vmul.f32 v9, v4;
	[tilespmem:s7+$0x0] =	vst v6  }
0x131: {  	[tilespmem:s7+$0xFFFFFFA0] =	vst v8;
	v14 =	vld [tilespmem:s4+$0x10]  }
0x132: {  	s8 =	simm.s32 $0x8;
	v15 =	vld [tilespmem:s4+$0xFFFFFF10];
	[tilespmem:s7+$0xFFFFFFD0] =	vst v7;
	v6 =	vmul.f32 v10, v3  }
0x133: {  	s9 =	simm.s32 $0x9;
	v7 =	vmov s8;
	v9 =	vld [tilespmem:s4+$0xFFFFFF90]  }
0x134: {  	s25 =	simm.s32 $0xB;
	v8 =	vmov s9;
	v7 =	vand.u32 $0xFFFFFFFC, v7;
	[tilespmem:s7+$0x30] =	vst v6;
	v6 =	vld.idx.msk [tilespmem:v11+s26+$0x0], $0xffff  }
0x135: {  	v8 =	vand.u32 $0xFFFFFFFD, v8;
	[tilespmem:s7+$0x20] =	vst v13;
	v10 =	vbroadcast v7, $0x0;
	v7 =	vmov s25;
	v11 =	vld [tilespmem:s22+$0x0]  }
0x136: {  	v2 =	vld.idx.msk [tilespmem:v2+s26+$0x0], $0xffff;
	[tilespmem:s7+$0xFFFFFFC0] =	vst v16;
	v8 =	vbroadcast v8, $0x0;
	v14 =	vmul.f32 v14, v13  }
0x137: {  	s10 =	simm.s32 $0xA;
	s9 =	simm.s32 $0xC;
	s8 =	simm.s32 $0xC660;
	[tilespmem:s7+$0xFFFFFFF0] =	vst v4;
	v13 =	vld [tilespmem:s22+$0xFFFFFF80];
	v15 =	vmul.f32 v15, v16  }
.LBB2_8:
0x138: {  	p1 =	slt.u32 s9, $0x7C;
	v18 =	vmov s10;
	v17 =	vld [tilespmem:s22+$0x80];
	v9 =	vmul.f32 v9, v4;
	[tilespmem:s7+$0x10] =	vst v14;
	v4 =	vmov v5  }
0x139: {  	v5 =	vand.u32 $0xFFFFFFFE, v18;
	[tilespmem:s7+$0xFFFFFFB0] =	vst v15;
	v14 =	vld [tilespmem:s4+$0x90];
	s4 =	smov.u32 s22  }
0x13a: {  	v16 =	vmov v6;
	v15 =	vbroadcast v5, $0x0;
	v7 =	vld.idx.msk [tilespmem:v7+s26+$0x0], $0xffff;
	v11 =	vmul.f32 v11, v6;
	[tilespmem:s7+$0xFFFFFFE0] =	vst v9  }
0x13b: {  	s7 =	sadd.s32 $0xC0, s7;
	v18 =	vld.idx.msk [tilespmem:v10+s26+$0x0], $0xffff;
	v6 =	vmul.f32 v12, v2;
	[tilespmem:s8+$0x50] =	vst v3  }
0x13c: {  	v5 =	vld.idx.msk [tilespmem:v8+s26+$0x0], $0xffff;
	v8 =	vmul.f32 v13, v4;
	[tilespmem:s7+$0x0] =	vst v11  }
0x13d: {  	[tilespmem:s7+$0xFFFFFFA0] =	vst v6;
	v13 =	vld [tilespmem:s22+$0x10];
	v6 =	vmul.f32 v17, v1  }
0x13e: {  	v17 =	vld [tilespmem:s22+$0xFFFFFF10];
	[tilespmem:s7+$0xFFFFFFD0] =	vst v8;
	v8 =	vmul.f32 v14, v3;
	v3 =	vmov v1  }
.Ltmp3:
0x13f: {  	s10 =	sadd.s32 $0x1, s9;
	v12 =	vmov s9;
	v9 =	vld [tilespmem:s22+$0xFFFFFF90];
	[tilespmem:s7+$0x30] =	vst v6;
	(pc) =	sbr.rel @p1 .LBB2_8-.Ltmp3, $4  }
0x140: {  	v10 =	vand.u32 $0xFFFFFFFC, v12;
	v11 =	vmov s10;
	s10 =	sadd.s32 $0x3, s9;
	s22 =	sadd.s32 $0x200, s22;
	v1 =	vmov v7;
	v6 =	vld.idx.msk [tilespmem:v15+s26+$0x0], $0xffff;
	[tilespmem:s8+$0x40] =	vst v8;
	s8 =	smov.u32 s7  }
0x141: {  	v10 =	vbroadcast v10, $0x0;
	v7 =	vmov s10;
	v8 =	vand.u32 $0xFFFFFFFD, v11;
	v11 =	vld [tilespmem:s22+$0x0];
	[tilespmem:s7+$0xFFFFFFF0] =	vst v4  }
0x142: {  	v8 =	vbroadcast v8, $0x0;
	v12 =	vld [tilespmem:s22+$0xFFFFFF00];
	v14 =	vmul.f32 v13, v16;
	[tilespmem:s7+$0x20] =	vst v16  }
0x143: {  	s10 =	sadd.s32 $0x2, s9;
	s9 =	sadd.s32 $0x4, s9;
	v13 =	vld [tilespmem:s22+$0xFFFFFF80];
	v15 =	vmul.f32 v17, v2;
	[tilespmem:s7+$0xFFFFFFC0] =	vst v2;
	v2 =	vmov v18  }
0x144: {  	_ =	sdelay $0x1  }
0x145: {  	v17 =	vld [tilespmem:s22+$0x80];
	[tilespmem:s7+$0x10] =	vst v14  }
0x146: {  	v16 =	vmov s10;
	v4 =	vmul.f32 v9, v4;
	v14 =	vld [tilespmem:s4+$0x90];
	[tilespmem:s8+$0x50] =	vst v3  }
0x147: {  	v8 =	vld.idx.msk [tilespmem:v8+s26+$0x0], $0xffff;
	v9 =	vand.u32 $0xFFFFFFFE, v16;
	[tilespmem:s7+$0xFFFFFFB0] =	vst v15;
	v11 =	vmul.f32 v11, v6  }
0x148: {  	s14 =	sadd.s32 $0xC0, s7;
	v9 =	vbroadcast v9, $0x0;
	[tilespmem:s7+$0xFFFFFFE0] =	vst v4;
	v4 =	vld.idx.msk [tilespmem:v10+s26+$0x0], $0xffff;
	v10 =	vmul.f32 v12, v2  }
0x149: {  	v7 =	vld.idx.msk [tilespmem:v7+s26+$0x0], $0xffff;
	v12 =	vmul.f32 v13, v5;
	[tilespmem:s14+$0x0] =	vst v11  }
0x14a: {  	[tilespmem:s14+$0xFFFFFFA0] =	vst v10;
	v10 =	vld [tilespmem:s22+$0x10]  }
0x14b: {  	v3 =	vmul.f32 v14, v3;
	v13 =	vld [tilespmem:s22+$0xFFFFFF10];
	[tilespmem:s14+$0xFFFFFFD0] =	vst v12  }
0x14c: {  	s15 =	sadd.s32 $0x200, s22;
	[tilespmem:s14+$0x20] =	vst v6;
	v12 =	vld [tilespmem:s22+$0xFFFFFF90]  }
0x14d: {  	v11 =	vmul.f32 v17, v1;
	[tilespmem:s8+$0x40] =	vst v3;
	v3 =	vld [tilespmem:s15+$0x0]  }
0x14e: {  	[tilespmem:s14+$0xFFFFFFC0] =	vst v2;
	v9 =	vld.idx.msk [tilespmem:v9+s26+$0x0], $0xffff  }
0x14f: {  	[tilespmem:s14+$0x30] =	vst v11;
	v11 =	vld [tilespmem:s15+$0xFFFFFF00];
	v10 =	vmul.f32 v10, v6  }
0x150: {  	[tilespmem:s14+$0xFFFFFFF0] =	vst v5;
	v6 =	vld [tilespmem:s15+$0xFFFFFF80]  }
0x151: {  	v13 =	vmul.f32 v13, v2;
	v2 =	vld [tilespmem:s15+$0x80];
	[tilespmem:s14+$0x10] =	vst v10  }
0x152: {  	v5 =	vmul.f32 v12, v5;
	v10 =	vld [tilespmem:s22+$0x90];
	[tilespmem:s14+$0x50] =	vst v1  }
0x153: {  	[tilespmem:s14+$0xFFFFFFB0] =	vst v13;
	v3 =	vmul.f32 v3, v9  }
0x154: {  	s16 =	sadd.s32 $0xC0, s14;
	[tilespmem:s14+$0xFFFFFFE0] =	vst v5;
	v5 =	vmul.f32 v11, v4  }
0x155: {  	v6 =	vmul.f32 v6, v8;
	[tilespmem:s16+$0x0] =	vst v3  }
0x156: {  	[tilespmem:s16+$0xFFFFFFA0] =	vst v5;
	v3 =	vld [tilespmem:s15+$0x10]  }
0x157: {  	v2 =	vmul.f32 v2, v7;
	v5 =	vld [tilespmem:s15+$0xFFFFFF10];
	[tilespmem:s16+$0xFFFFFFD0] =	vst v6  }
0x158: {  	[tilespmem:s16+$0x20] =	vst v9;
	v1 =	vmul.f32 v10, v1;
	v6 =	vld [tilespmem:s15+$0xFFFFFF90]  }
0x159: {  	[tilespmem:s16+$0x30] =	vst v2  }
0x15a: {  	[tilespmem:s14+$0x40] =	vst v1;
	v1 =	vld [tilespmem:s15+$0x90]  }
0x15b: {  	s22 =	simm.s32 $0x80;
	[tilespmem:s16+$0xFFFFFFC0] =	vst v4  }
0x15c: {  	s25 =	simm.s32 $0x81;
	[tilespmem:s16+$0xFFFFFFF0] =	vst v8;
	v2 =	vmul.f32 v3, v9;
	v3 =	vmul.f32 v5, v4;
	v5 =	vmov s22  }
0x15d: {  	s9 =	simm.s32 $0x82;
	[tilespmem:s16+$0x50] =	vst v7;
	v4 =	vmul.f32 v6, v8;
	v5 =	vand.u32 $0xFFFFFFFC, v5;
	v6 =	vmov s25  }
0x15e: {  	[tilespmem:s16+$0x10] =	vst v2;
	v2 =	vbroadcast v5, $0x0;
	v5 =	vand.u32 $0xFFFFFFFD, v6;
	v6 =	vmov s9  }
0x15f: {  	[tilespmem:s16+$0xFFFFFFB0] =	vst v3;
	v1 =	vmul.f32 v1, v7;
	v3 =	vbroadcast v5, $0x0;
	v5 =	vand.u32 $0xFFFFFFFE, v6  }
0x160: {  	[tilespmem:s16+$0xFFFFFFE0] =	vst v4;
	v5 =	vbroadcast v5, $0x0  }
0x161: {  	s10 =	simm.s32 $0xC600;
	s4 =	simm.s32 $0x83B0;
	[tilespmem:s16+$0x40] =	vst v1  }
0x162: {  	[spmem:s2] =	stream.indirect.scatter.add.f32 [tilespmem:s10], [sflag:$0x4], $0x30, s5, s22, $0xb8;
	[tilespmem:$0x16320] =	vst v63  }
0x163: {  	s12 =	simm.s32 $0x83;
	s13 =	simm.s32 $0x84;
	v6 =	vld [tilespmem:s4+$0xFFFFFF70]  }
0x164: {  	s14 =	simm.s32 $0x85;
	v1 =	vmov s12;
	v16 =	vld.idx.msk [tilespmem:v2+s26+$0x0], $0xffff;
	v2 =	vmov s13  }
0x165: {  	s15 =	simm.s32 $0x87;
	v4 =	vld.idx.msk [tilespmem:v3+s26+$0x0], $0xffff;
	v2 =	vand.u32 $0xFFFFFFFC, v2;
	v3 =	vmov s14  }
0x166: {  	v13 =	vld.idx.msk [tilespmem:v5+s26+$0x0], $0xffff;
	v2 =	vbroadcast v2, $0x0;
	v3 =	vand.u32 $0xFFFFFFFD, v3;
	v5 =	vmov s15  }
0x167: {  	v8 =	vld [tilespmem:s4+$0xFFFFFE70];
	v7 =	vbroadcast v3, $0x0  }
0x168: {  	s16 =	simm.s32 $0x86;
	v9 =	vld [tilespmem:s4+$0xFFFFFEF0]  }
0x169: {  	v3 =	vld.idx.msk [tilespmem:v1+s26+$0x0], $0xffff;
	v1 =	vmov s16  }
0x16a: {  	v10 =	vld [tilespmem:s4+$0xFFFFFFF0];
	v1 =	vand.u32 $0xFFFFFFFE, v1  }
0x16b: {  	v11 =	vbroadcast v1, $0x0;
	v1 =	vld.idx.msk [tilespmem:v5+s26+$0x0], $0xffff;
	v6 =	vmul.f32 v6, v13  }
0x16c: {  	s7 =	simm.s32 $0xDEB0;
	v8 =	vmul.f32 v8, v16;
	v2 =	vld.idx.msk [tilespmem:v2+s26+$0x0], $0xffff  }
0x16d: {  	v5 =	vld.idx.msk [tilespmem:v7+s26+$0x0], $0xffff;
	v7 =	vmul.f32 v9, v4;
	[tilespmem:s7+$0xFFFFFFB0] =	vst v6  }
0x16e: {  	[tilespmem:s7+$0xFFFFFF50] =	vst v8;
	v14 =	vld [tilespmem:s4+$0xFFFFFF80]  }
0x16f: {  	s22 =	simm.s32 $0x88;
	v15 =	vld [tilespmem:s4+$0xFFFFFE80];
	v6 =	vmul.f32 v10, v3;
	[tilespmem:s7+$0xFFFFFF80] =	vst v7  }
0x170: {  	s9 =	simm.s32 $0x89;
	v7 =	vmov s22;
	v9 =	vld [tilespmem:s4+$0xFFFFFF00]  }
0x171: {  	s25 =	simm.s32 $0x8B;
	v8 =	vmov s9;
	[tilespmem:s7+$0xFFFFFFE0] =	vst v6;
	v6 =	vld.idx.msk [tilespmem:v11+s26+$0x0], $0xffff;
	s22 =	simm.s32 $0x85B0;
	v7 =	vand.u32 $0xFFFFFFFC, v7  }
0x172: {  	v8 =	vand.u32 $0xFFFFFFFD, v8;
	[tilespmem:s7+$0xFFFFFF70] =	vst v16;
	v11 =	vld [tilespmem:s22+$0xFFFFFF70];
	v10 =	vbroadcast v7, $0x0;
	v7 =	vmov s25  }
0x173: {  	v8 =	vbroadcast v8, $0x0;
	[tilespmem:s7+$0xFFFFFFD0] =	vst v13;
	v12 =	vld [tilespmem:s22+$0xFFFFFE70];
	v14 =	vmul.f32 v14, v13  }
0x174: {  	s8 =	simm.s32 $0xDEB0;
	s10 =	simm.s32 $0x8A;
	s9 =	simm.s32 $0x8C;
	[tilespmem:s7+$0xFFFFFFA0] =	vst v4;
	v15 =	vmul.f32 v15, v16;
	v13 =	vld [tilespmem:s22+$0xFFFFFEF0]  }
.LBB2_10:
0x175: {  	p1 =	slt.u32 s9, $0xFC;
	v18 =	vmov s10;
	v17 =	vld [tilespmem:s22+$0xFFFFFFF0];
	v9 =	vmul.f32 v9, v4;
	[tilespmem:s7+$0xFFFFFFC0] =	vst v14;
	v4 =	vmov v5  }
0x176: {  	v5 =	vand.u32 $0xFFFFFFFE, v18;
	[tilespmem:s7+$0xFFFFFF60] =	vst v15;
	v14 =	vld [tilespmem:s4+$0x0];
	s4 =	smov.u32 s22  }
0x177: {  	v16 =	vmov v6;
	v15 =	vbroadcast v5, $0x0;
	v7 =	vld.idx.msk [tilespmem:v7+s26+$0x0], $0xffff;
	v11 =	vmul.f32 v11, v6;
	[tilespmem:s7+$0xFFFFFF90] =	vst v9  }
0x178: {  	s7 =	sadd.s32 $0xC0, s7;
	v18 =	vld.idx.msk [tilespmem:v10+s26+$0x0], $0xffff;
	v6 =	vmul.f32 v12, v2;
	[tilespmem:s8+$0x0] =	vst v3  }
0x179: {  	v5 =	vld.idx.msk [tilespmem:v8+s26+$0x0], $0xffff;
	v8 =	vmul.f32 v13, v4;
	[tilespmem:s7+$0xFFFFFFB0] =	vst v11  }
0x17a: {  	[tilespmem:s7+$0xFFFFFF50] =	vst v6;
	v13 =	vld [tilespmem:s22+$0xFFFFFF80];
	v6 =	vmul.f32 v17, v1  }
0x17b: {  	v17 =	vld [tilespmem:s22+$0xFFFFFE80];
	[tilespmem:s7+$0xFFFFFF80] =	vst v8;
	v8 =	vmul.f32 v14, v3;
	v3 =	vmov v1  }
.Ltmp4:
0x17c: {  	s10 =	sadd.s32 $0x1, s9;
	v12 =	vmov s9;
	v9 =	vld [tilespmem:s22+$0xFFFFFF00];
	[tilespmem:s7+$0xFFFFFFE0] =	vst v6;
	(pc) =	sbr.rel @p1 .LBB2_10-.Ltmp4, $4  }
0x17d: {  	v10 =	vand.u32 $0xFFFFFFFC, v12;
	v11 =	vmov s10;
	s10 =	sadd.s32 $0x3, s9;
	s22 =	sadd.s32 $0x200, s22;
	v1 =	vmov v7;
	v6 =	vld.idx.msk [tilespmem:v15+s26+$0x0], $0xffff;
	[tilespmem:s8+$0xFFFFFFF0] =	vst v8;
	s8 =	smov.u32 s7  }
0x17e: {  	v10 =	vbroadcast v10, $0x0;
	v7 =	vmov s10;
	v8 =	vand.u32 $0xFFFFFFFD, v11;
	v11 =	vld [tilespmem:s22+$0xFFFFFF70];
	[tilespmem:s7+$0xFFFFFFA0] =	vst v4  }
0x17f: {  	v8 =	vbroadcast v8, $0x0;
	v12 =	vld [tilespmem:s22+$0xFFFFFE70];
	v14 =	vmul.f32 v13, v16;
	[tilespmem:s7+$0xFFFFFFD0] =	vst v16  }
0x180: {  	s10 =	sadd.s32 $0x2, s9;
	s9 =	sadd.s32 $0x4, s9;
	v13 =	vld [tilespmem:s22+$0xFFFFFEF0];
	v15 =	vmul.f32 v17, v2;
	[tilespmem:s7+$0xFFFFFF70] =	vst v2;
	v2 =	vmov v18  }
0x181: {  	_ =	sdelay $0x1  }
0x182: {  	v17 =	vld [tilespmem:s22+$0xFFFFFFF0];
	[tilespmem:s7+$0xFFFFFFC0] =	vst v14  }
0x183: {  	v16 =	vmov s10;
	v4 =	vmul.f32 v9, v4;
	v14 =	vld [tilespmem:s4+$0x0];
	[tilespmem:s8+$0x0] =	vst v3  }
0x184: {  	v8 =	vld.idx.msk [tilespmem:v8+s26+$0x0], $0xffff;
	v9 =	vand.u32 $0xFFFFFFFE, v16;
	[tilespmem:s7+$0xFFFFFF60] =	vst v15;
	v11 =	vmul.f32 v11, v6  }
0x185: {  	s10 =	sadd.s32 $0xC0, s7;
	v9 =	vbroadcast v9, $0x0;
	[tilespmem:s7+$0xFFFFFF90] =	vst v4;
	v4 =	vld.idx.msk [tilespmem:v10+s26+$0x0], $0xffff;
	v10 =	vmul.f32 v12, v2  }
0x186: {  	v7 =	vld.idx.msk [tilespmem:v7+s26+$0x0], $0xffff;
	v12 =	vmul.f32 v13, v5;
	[tilespmem:s10+$0xFFFFFFB0] =	vst v11  }
0x187: {  	[tilespmem:s10+$0xFFFFFF50] =	vst v10;
	v10 =	vld [tilespmem:s22+$0xFFFFFF80]  }
0x188: {  	v3 =	vmul.f32 v14, v3;
	v13 =	vld [tilespmem:s22+$0xFFFFFE80];
	[tilespmem:s10+$0xFFFFFF80] =	vst v12  }
0x189: {  	s12 =	sadd.s32 $0x200, s22;
	[tilespmem:s10+$0xFFFFFFD0] =	vst v6;
	v12 =	vld [tilespmem:s22+$0xFFFFFF00]  }
0x18a: {  	v11 =	vmul.f32 v17, v1;
	[tilespmem:s8+$0xFFFFFFF0] =	vst v3;
	v3 =	vld [tilespmem:s12+$0xFFFFFF70]  }
0x18b: {  	[tilespmem:s10+$0xFFFFFF70] =	vst v2;
	v9 =	vld.idx.msk [tilespmem:v9+s26+$0x0], $0xffff  }
0x18c: {  	[tilespmem:s10+$0xFFFFFFE0] =	vst v11;
	v11 =	vld [tilespmem:s12+$0xFFFFFE70];
	v10 =	vmul.f32 v10, v6  }
0x18d: {  	[tilespmem:s10+$0xFFFFFFA0] =	vst v5;
	v6 =	vld [tilespmem:s12+$0xFFFFFEF0]  }
0x18e: {  	v13 =	vmul.f32 v13, v2;
	v2 =	vld [tilespmem:s12+$0xFFFFFFF0];
	[tilespmem:s10+$0xFFFFFFC0] =	vst v10  }
0x18f: {  	v5 =	vmul.f32 v12, v5;
	v10 =	vld [tilespmem:s22+$0x0];
	[tilespmem:s10+$0x0] =	vst v1  }
0x190: {  	[tilespmem:s10+$0xFFFFFF60] =	vst v13;
	v3 =	vmul.f32 v3, v9  }
0x191: {  	s13 =	sadd.s32 $0xC0, s10;
	[tilespmem:s10+$0xFFFFFF90] =	vst v5;
	v5 =	vmul.f32 v11, v4  }
0x192: {  	[tilespmem:s13+$0xFFFFFFB0] =	vst v3  }
0x193: {  	v6 =	vmul.f32 v6, v8;
	[tilespmem:s13+$0xFFFFFF50] =	vst v5;
	v3 =	vld [tilespmem:s12+$0xFFFFFF80]  }
0x194: {  	v2 =	vmul.f32 v2, v7;
	[tilespmem:s13+$0xFFFFFFD0] =	vst v9;
	v5 =	vld [tilespmem:s12+$0xFFFFFE80]  }
0x195: {  	[tilespmem:s13+$0xFFFFFF80] =	vst v6;
	v1 =	vmul.f32 v10, v1  }
0x196: {  	v6 =	vld [tilespmem:s12+$0xFFFFFF00];
	[tilespmem:s13+$0xFFFFFFE0] =	vst v2  }
0x197: {  	[tilespmem:s10+$0xFFFFFFF0] =	vst v1;
	v1 =	vld [tilespmem:s12+$0x0]  }
0x198: {  	s14 =	simm.s32 $0x100;
	[tilespmem:s13+$0xFFFFFF70] =	vst v4  }
0x199: {  	[tilespmem:s13+$0xFFFFFFA0] =	vst v8;
	v2 =	vmul.f32 v3, v9;
	v3 =	vmul.f32 v5, v4;
	v5 =	vmov s14  }
0x19a: {  	s15 =	simm.s32 $0x101;
	[tilespmem:s13+$0x0] =	vst v7;
	v5 =	vand.u32 $0xFFFFFFFC, v5  }
0x19b: {  	s16 =	simm.s32 $0x102;
	v4 =	vmul.f32 v6, v8;
	v6 =	vmov s15;
	[tilespmem:s13+$0xFFFFFFC0] =	vst v2;
	v2 =	vbroadcast v5, $0x0  }
0x19c: {  	v5 =	vand.u32 $0xFFFFFFFD, v6;
	v6 =	vmov s16;
	[tilespmem:s13+$0xFFFFFF60] =	vst v3;
	v1 =	vmul.f32 v1, v7  }
0x19d: {  	s25 =	simm.s32 $0x40;
	v3 =	vbroadcast v5, $0x0;
	v5 =	vand.u32 $0xFFFFFFFE, v6;
	[tilespmem:s13+$0xFFFFFF90] =	vst v4  }
0x19e: {  	s4 =	sand.u32 $0x3FFFFFC0, s25;
	s22 =	simm.s32 $0xDE00;
	v5 =	vbroadcast v5, $0x0;
	[tilespmem:s13+$0xFFFFFFF0] =	vst v1  }
0x19f: {  	[spmem:s2] =	stream.indirect.scatter.add.f32 [tilespmem:s22], [sflag:$0x4], $0x30, s19, s19, $0xb8;
	[tilespmem:$0x16320] =	vst v63  }
0x1a0: {  	s22 =	sadd.s32 $0x4200, s4  }
0x1a1: {  	s9 =	simm.s32 $0x104;
	s8 =	simm.s32 $0x103;
	v6 =	vld [tilespmem:s22+$0x120]  }
0x1a2: {  	s10 =	simm.s32 $0x105;
	v1 =	vmov s8;
	v16 =	vld.idx.msk [tilespmem:v2+s26+$0x0], $0xffff;
	v2 =	vmov s9  }
0x1a3: {  	s12 =	simm.s32 $0x107;
	v4 =	vld.idx.msk [tilespmem:v3+s26+$0x0], $0xffff;
	v2 =	vand.u32 $0xFFFFFFFC, v2;
	v3 =	vmov s10  }
0x1a4: {  	v13 =	vld.idx.msk [tilespmem:v5+s26+$0x0], $0xffff;
	v2 =	vbroadcast v2, $0x0;
	v3 =	vand.u32 $0xFFFFFFFD, v3;
	v5 =	vmov s12  }
0x1a5: {  	v8 =	vld [tilespmem:s22+$0x20];
	v7 =	vbroadcast v3, $0x0  }
0x1a6: {  	s13 =	simm.s32 $0x106;
	v9 =	vld [tilespmem:s22+$0xA0]  }
0x1a7: {  	v3 =	vld.idx.msk [tilespmem:v1+s26+$0x0], $0xffff;
	v1 =	vmov s13  }
0x1a8: {  	v10 =	vld [tilespmem:s22+$0x1A0];
	v1 =	vand.u32 $0xFFFFFFFE, v1  }
0x1a9: {  	v11 =	vbroadcast v1, $0x0;
	v1 =	vld.idx.msk [tilespmem:v5+s26+$0x0], $0xffff;
	v6 =	vmul.f32 v6, v13  }
0x1aa: {  	s4 =	simm.s32 $0xF6B0;
	v8 =	vmul.f32 v8, v16;
	v2 =	vld.idx.msk [tilespmem:v2+s26+$0x0], $0xffff  }
0x1ab: {  	v5 =	vld.idx.msk [tilespmem:v7+s26+$0x0], $0xffff;
	v7 =	vmul.f32 v9, v4;
	[tilespmem:s4+$0xFFFFFFB0] =	vst v6  }
0x1ac: {  	[tilespmem:s4+$0xFFFFFF50] =	vst v8;
	v14 =	vld [tilespmem:s22+$0x130]  }
0x1ad: {  	s7 =	simm.s32 $0x41;
	s14 =	simm.s32 $0x108;
	v15 =	vld [tilespmem:s22+$0x30];
	v6 =	vmul.f32 v10, v3;
	[tilespmem:s4+$0xFFFFFF80] =	vst v7  }
0x1ae: {  	s15 =	sand.u32 $0x3FFFFFC0, s7;
	s9 =	simm.s32 $0x109;
	v7 =	vmov s14;
	v8 =	vld [tilespmem:s22+$0xB0]  }
0x1af: {  	s16 =	simm.s32 $0x10B;
	v9 =	vmov s9;
	s9 =	sadd.s32 $0x4400, s15;
	[tilespmem:s4+$0xFFFFFFE0] =	vst v6;
	v6 =	vld.idx.msk [tilespmem:v11+s26+$0x0], $0xffff;
	v7 =	vand.u32 $0xFFFFFFFC, v7  }
0x1b0: {  	[tilespmem:s4+$0xFFFFFF70] =	vst v16;
	v9 =	vand.u32 $0xFFFFFFFD, v9;
	v11 =	vld [tilespmem:s9+$0x120];
	v10 =	vbroadcast v7, $0x0;
	v7 =	vmov s16  }
0x1b1: {  	s25 =	simm.s32 $0x4400;
	v12 =	vld [tilespmem:s9+$0x20];
	[tilespmem:s4+$0xFFFFFFD0] =	vst v13;
	v9 =	vbroadcast v9, $0x0;
	v14 =	vmul.f32 v14, v13  }
0x1b2: {  	s8 =	simm.s32 $0xF6B0;
	s10 =	simm.s32 $0x10C;
	s12 =	simm.s32 $0x10A;
	[tilespmem:s4+$0xFFFFFFA0] =	vst v4;
	v15 =	vmul.f32 v15, v16;
	v13 =	vld [tilespmem:s9+$0xA0]  }
.LBB2_12:
0x1b3: {  	p1 =	slt.u32 s10, $0x17C;
	v18 =	vmov s12;
	v17 =	vld [tilespmem:s9+$0x1A0];
	v8 =	vmul.f32 v8, v4;
	[tilespmem:s4+$0xFFFFFFC0] =	vst v14;
	v4 =	vmov v5  }
0x1b4: {  	v5 =	vand.u32 $0xFFFFFFFE, v18;
	[tilespmem:s4+$0xFFFFFF60] =	vst v15;
	v14 =	vld [tilespmem:s22+$0x1B0];
	s22 =	smov.u32 s9  }
0x1b5: {  	v16 =	vmov v6;
	v15 =	vbroadcast v5, $0x0;
	v7 =	vld.idx.msk [tilespmem:v7+s26+$0x0], $0xffff;
	v11 =	vmul.f32 v11, v6;
	[tilespmem:s4+$0xFFFFFF90] =	vst v8  }
0x1b6: {  	s4 =	sadd.s32 $0xC0, s4;
	v18 =	vld.idx.msk [tilespmem:v10+s26+$0x0], $0xffff;
	v6 =	vmul.f32 v12, v2;
	[tilespmem:s8+$0x0] =	vst v3  }
0x1b7: {  	v5 =	vld.idx.msk [tilespmem:v9+s26+$0x0], $0xffff;
	v8 =	vmul.f32 v13, v4;
	[tilespmem:s4+$0xFFFFFFB0] =	vst v11  }
0x1b8: {  	[tilespmem:s4+$0xFFFFFF50] =	vst v6;
	v13 =	vld [tilespmem:s22+$0x130];
	v6 =	vmul.f32 v17, v1  }
0x1b9: {  	s7 =	sadd.s32 $0x1, s7;
	s25 =	sadd.s32 $0x200, s25;
	v17 =	vld [tilespmem:s22+$0x30];
	[tilespmem:s4+$0xFFFFFF80] =	vst v8;
	v9 =	vmul.f32 v14, v3;
	v3 =	vmov v1  }
.Ltmp5:
0x1ba: {  	s9 =	sadd.s32 $0x1, s10;
	s12 =	sand.u32 $0x3FFFFFC0, s7;
	v12 =	vmov s10;
	v8 =	vld [tilespmem:s22+$0xB0];
	[tilespmem:s4+$0xFFFFFFE0] =	vst v6;
	(pc) =	sbr.rel @p1 .LBB2_12-.Ltmp5, $4  }
0x1bb: {  	s13 =	sadd.s32 $0x3, s10;
	v10 =	vand.u32 $0xFFFFFFFC, v12;
	v11 =	vmov s9;
	s9 =	sadd.s32 s12, s25;
	v1 =	vmov v7;
	v6 =	vld.idx.msk [tilespmem:v15+s26+$0x0], $0xffff;
	[tilespmem:s8+$0xFFFFFFF0] =	vst v9;
	s8 =	smov.u32 s4  }
0x1bc: {  	v10 =	vbroadcast v10, $0x0;
	v7 =	vmov s13;
	v9 =	vand.u32 $0xFFFFFFFD, v11;
	v11 =	vld [tilespmem:s9+$0x120];
	[tilespmem:s4+$0xFFFFFFA0] =	vst v4  }
0x1bd: {  	v9 =	vbroadcast v9, $0x0;
	v12 =	vld [tilespmem:s9+$0x20];
	v14 =	vmul.f32 v13, v16;
	[tilespmem:s4+$0xFFFFFFD0] =	vst v16  }
0x1be: {  	s12 =	sadd.s32 $0x2, s10;
	s10 =	sadd.s32 $0x4, s10;
	v13 =	vld [tilespmem:s9+$0xA0];
	v15 =	vmul.f32 v17, v2;
	[tilespmem:s4+$0xFFFFFF70] =	vst v2;
	v2 =	vmov v18  }
0x1bf: {  	_ =	sdelay $0x1  }
0x1c0: {  	v17 =	vld [tilespmem:s9+$0x1A0];
	[tilespmem:s4+$0xFFFFFFC0] =	vst v14  }
0x1c1: {  	v16 =	vmov s12;
	v4 =	vmul.f32 v8, v4;
	v14 =	vld [tilespmem:s22+$0x1B0];
	[tilespmem:s8+$0x0] =	vst v3  }
0x1c2: {  	v9 =	vld.idx.msk [tilespmem:v9+s26+$0x0], $0xffff;
	v8 =	vand.u32 $0xFFFFFFFE, v16;
	[tilespmem:s4+$0xFFFFFF60] =	vst v15;
	v11 =	vmul.f32 v11, v6  }
0x1c3: {  	s22 =	sadd.s32 $0xC0, s4;
	v8 =	vbroadcast v8, $0x0;
	[tilespmem:s4+$0xFFFFFF90] =	vst v4;
	v4 =	vld.idx.msk [tilespmem:v10+s26+$0x0], $0xffff;
	v10 =	vmul.f32 v12, v2  }
0x1c4: {  	v7 =	vld.idx.msk [tilespmem:v7+s26+$0x0], $0xffff;
	v12 =	vmul.f32 v13, v5;
	[tilespmem:s22+$0xFFFFFFB0] =	vst v11  }
0x1c5: {  	s7 =	sadd.s32 $0x1, s7;
	[tilespmem:s22+$0xFFFFFF50] =	vst v10;
	v10 =	vld [tilespmem:s9+$0x130]  }
0x1c6: {  	s10 =	sadd.s32 $0x200, s25;
	s7 =	sand.u32 $0x3FFFFFC0, s7;
	v3 =	vmul.f32 v14, v3;
	v13 =	vld [tilespmem:s9+$0x30];
	[tilespmem:s22+$0xFFFFFF80] =	vst v12  }
0x1c7: {  	s7 =	sadd.s32 s7, s10;
	[tilespmem:s22+$0xFFFFFFD0] =	vst v6;
	v12 =	vld [tilespmem:s9+$0xB0]  }
0x1c8: {  	v11 =	vmul.f32 v17, v1;
	[tilespmem:s8+$0xFFFFFFF0] =	vst v3;
	v3 =	vld [tilespmem:s7+$0x120]  }
0x1c9: {  	[tilespmem:s22+$0xFFFFFF70] =	vst v2;
	v8 =	vld.idx.msk [tilespmem:v8+s26+$0x0], $0xffff  }
0x1ca: {  	[tilespmem:s22+$0xFFFFFFE0] =	vst v11;
	v11 =	vld [tilespmem:s7+$0x20];
	v10 =	vmul.f32 v10, v6  }
0x1cb: {  	[tilespmem:s22+$0xFFFFFFA0] =	vst v5;
	v6 =	vld [tilespmem:s7+$0xA0]  }
0x1cc: {  	v13 =	vmul.f32 v13, v2;
	v2 =	vld [tilespmem:s7+$0x1A0];
	[tilespmem:s22+$0xFFFFFFC0] =	vst v10  }
0x1cd: {  	v5 =	vmul.f32 v12, v5;
	v10 =	vld [tilespmem:s9+$0x1B0];
	[tilespmem:s22+$0x0] =	vst v1  }
0x1ce: {  	[tilespmem:s22+$0xFFFFFF60] =	vst v13;
	v3 =	vmul.f32 v3, v8  }
0x1cf: {  	s10 =	sadd.s32 $0xC0, s22;
	[tilespmem:s22+$0xFFFFFF90] =	vst v5;
	v5 =	vmul.f32 v11, v4  }
0x1d0: {  	v6 =	vmul.f32 v6, v9;
	[tilespmem:s10+$0xFFFFFFB0] =	vst v3  }
0x1d1: {  	[tilespmem:s10+$0xFFFFFF50] =	vst v5;
	v3 =	vld [tilespmem:s7+$0x130]  }
0x1d2: {  	v2 =	vmul.f32 v2, v7;
	v5 =	vld [tilespmem:s7+$0x30];
	[tilespmem:s10+$0xFFFFFF80] =	vst v6  }
0x1d3: {  	[tilespmem:s10+$0xFFFFFFD0] =	vst v8;
	v1 =	vmul.f32 v10, v1;
	v6 =	vld [tilespmem:s7+$0xB0]  }
0x1d4: {  	[tilespmem:s10+$0xFFFFFFE0] =	vst v2  }
0x1d5: {  	[tilespmem:s22+$0xFFFFFFF0] =	vst v1;
	v1 =	vld [tilespmem:s7+$0x1B0]  }
0x1d6: {  	s12 =	simm.s32 $0x180;
	[tilespmem:s10+$0xFFFFFF70] =	vst v4  }
0x1d7: {  	s13 =	simm.s32 $0x181;
	[tilespmem:s10+$0xFFFFFFA0] =	vst v9;
	v2 =	vmul.f32 v3, v8;
	v3 =	vmul.f32 v5, v4;
	v5 =	vmov s12  }
0x1d8: {  	s14 =	simm.s32 $0x182;
	[tilespmem:s10+$0x0] =	vst v7;
	v4 =	vmul.f32 v6, v9;
	v5 =	vand.u32 $0xFFFFFFFC, v5;
	v6 =	vmov s13  }
0x1d9: {  	[tilespmem:s10+$0xFFFFFFC0] =	vst v2;
	v2 =	vbroadcast v5, $0x0;
	v5 =	vand.u32 $0xFFFFFFFD, v6;
	v6 =	vmov s14  }
0x1da: {  	s16 =	simm.s32 $0x60;
	[tilespmem:s10+$0xFFFFFF60] =	vst v3;
	v1 =	vmul.f32 v1, v7;
	v3 =	vbroadcast v5, $0x0;
	v5 =	vand.u32 $0xFFFFFFFE, v6  }
0x1db: {  	s4 =	sand.u32 $0x3FFFFFC0, s16;
	s22 =	simm.s32 $0x183;
	[tilespmem:s10+$0xFFFFFF90] =	vst v4;
	v5 =	vbroadcast v5, $0x0  }
0x1dc: {  	s15 =	simm.s32 $0xF600;
	[tilespmem:s10+$0xFFFFFFF0] =	vst v1;
	v1 =	vmov s22;
	s22 =	sadd.s32 $0x4200, s4  }
0x1dd: {  	[spmem:s2] =	stream.indirect.scatter.add.f32 [tilespmem:s15], [sflag:$0x4], $0x30, s20, s19, $0xb8;
	[tilespmem:$0x16320] =	vst v63  }
0x1de: {  	s25 =	simm.s32 $0x184;
	v6 =	vld [tilespmem:s22+$0x4120]  }
0x1df: {  	s9 =	simm.s32 $0x185;
	v16 =	vld.idx.msk [tilespmem:v2+s26+$0x0], $0xffff;
	v2 =	vmov s25  }
0x1e0: {  	s10 =	simm.s32 $0x187;
	v4 =	vld.idx.msk [tilespmem:v3+s26+$0x0], $0xffff;
	v2 =	vand.u32 $0xFFFFFFFC, v2;
	v3 =	vmov s9  }
0x1e1: {  	v12 =	vld.idx.msk [tilespmem:v5+s26+$0x0], $0xffff;
	v2 =	vbroadcast v2, $0x0;
	v3 =	vand.u32 $0xFFFFFFFD, v3;
	v5 =	vmov s10  }
0x1e2: {  	v8 =	vld [tilespmem:s22+$0x4020];
	v7 =	vbroadcast v3, $0x0  }
0x1e3: {  	s12 =	simm.s32 $0x186;
	v9 =	vld [tilespmem:s22+$0x40A0]  }
0x1e4: {  	v3 =	vld.idx.msk [tilespmem:v1+s26+$0x0], $0xffff;
	v1 =	vmov s12  }
0x1e5: {  	v10 =	vld [tilespmem:s22+$0x41A0];
	v1 =	vand.u32 $0xFFFFFFFE, v1  }
0x1e6: {  	v11 =	vbroadcast v1, $0x0;
	v1 =	vld.idx.msk [tilespmem:v5+s26+$0x0], $0xffff;
	v6 =	vmul.f32 v6, v12  }
0x1e7: {  	s4 =	simm.s32 $0x10EB0;
	v8 =	vmul.f32 v8, v16;
	v2 =	vld.idx.msk [tilespmem:v2+s26+$0x0], $0xffff  }
0x1e8: {  	v5 =	vld.idx.msk [tilespmem:v7+s26+$0x0], $0xffff;
	v7 =	vmul.f32 v9, v4;
	[tilespmem:s4+$0xFFFFFFB0] =	vst v6  }
0x1e9: {  	s7 =	simm.s32 $0x61;
	[tilespmem:s4+$0xFFFFFF50] =	vst v8;
	v14 =	vld [tilespmem:s22+$0x4130]  }
0x1ea: {  	s13 =	simm.s32 $0x188;
	s15 =	sand.u32 $0x3FFFFFC0, s7;
	v15 =	vld [tilespmem:s22+$0x4030];
	[tilespmem:s4+$0xFFFFFF80] =	vst v7  }
0x1eb: {  	s14 =	simm.s32 $0x189;
	s9 =	sadd.s32 $0x4400, s15;
	v6 =	vmul.f32 v10, v3;
	v7 =	vmov s13;
	v8 =	vld [tilespmem:s22+$0x40B0]  }
0x1ec: {  	s16 =	simm.s32 $0x18B;
	[tilespmem:s4+$0xFFFFFF70] =	vst v16;
	v9 =	vmov s14;
	v10 =	vld [tilespmem:s9+$0x4120];
	v7 =	vand.u32 $0xFFFFFFFC, v7  }
0x1ed: {  	v13 =	vmov s16;
	[tilespmem:s4+$0xFFFFFFE0] =	vst v6;
	v6 =	vld.idx.msk [tilespmem:v11+s26+$0x0], $0xffff;
	v11 =	vand.u32 $0xFFFFFFFD, v9;
	v9 =	vbroadcast v7, $0x0  }
0x1ee: {  	s8 =	simm.s32 $0x10EB0;
	[tilespmem:s4+$0xFFFFFFD0] =	vst v12;
	v7 =	vbroadcast v11, $0x0;
	v11 =	vld [tilespmem:s9+$0x4020];
	v14 =	vmul.f32 v14, v12  }
0x1ef: {  	s25 =	simm.s32 $0x4400;
	s10 =	simm.s32 $0x18C;
	s12 =	simm.s32 $0x18A;
	[tilespmem:s4+$0xFFFFFFA0] =	vst v4;
	v15 =	vmul.f32 v15, v16;
	v12 =	vld [tilespmem:s9+$0x40A0]  }
.LBB2_14:
0x1f0: {  	p1 =	slt.u32 s10, $0x1FC;
	v18 =	vmov s12;
	v17 =	vld [tilespmem:s9+$0x41A0];
	v8 =	vmul.f32 v8, v4;
	[tilespmem:s4+$0xFFFFFFC0] =	vst v14;
	v4 =	vmov v5  }
0x1f1: {  	v5 =	vand.u32 $0xFFFFFFFE, v18;
	[tilespmem:s4+$0xFFFFFF60] =	vst v15;
	v14 =	vld [tilespmem:s22+$0x41B0];
	s22 =	smov.u32 s9  }
0x1f2: {  	v16 =	vmov v6;
	v15 =	vbroadcast v5, $0x0;
	v13 =	vld.idx.msk [tilespmem:v13+s26+$0x0], $0xffff;
	v10 =	vmul.f32 v10, v6;
	[tilespmem:s4+$0xFFFFFF90] =	vst v8  }
0x1f3: {  	s4 =	sadd.s32 $0xC0, s4;
	v18 =	vld.idx.msk [tilespmem:v9+s26+$0x0], $0xffff;
	v6 =	vmul.f32 v11, v2;
	[tilespmem:s8+$0x0] =	vst v3  }
0x1f4: {  	v5 =	vld.idx.msk [tilespmem:v7+s26+$0x0], $0xffff;
	v7 =	vmul.f32 v12, v4;
	[tilespmem:s4+$0xFFFFFFB0] =	vst v10  }
0x1f5: {  	[tilespmem:s4+$0xFFFFFF50] =	vst v6;
	v12 =	vld [tilespmem:s22+$0x4130];
	v6 =	vmul.f32 v17, v1  }
0x1f6: {  	s7 =	sadd.s32 $0x1, s7;
	s25 =	sadd.s32 $0x200, s25;
	v17 =	vld [tilespmem:s22+$0x4030];
	[tilespmem:s4+$0xFFFFFF80] =	vst v7;
	v7 =	vmul.f32 v14, v3;
	v3 =	vmov v1  }
.Ltmp6:
0x1f7: {  	s9 =	sadd.s32 $0x1, s10;
	s12 =	sand.u32 $0x3FFFFFC0, s7;
	v11 =	vmov s10;
	v8 =	vld [tilespmem:s22+$0x40B0];
	[tilespmem:s4+$0xFFFFFFE0] =	vst v6;
	(pc) =	sbr.rel @p1 .LBB2_14-.Ltmp6, $4  }
0x1f8: {  	s13 =	sadd.s32 $0x3, s10;
	v9 =	vand.u32 $0xFFFFFFFC, v11;
	v10 =	vmov s9;
	s9 =	sadd.s32 s12, s25;
	v1 =	vmov v13;
	v6 =	vld.idx.msk [tilespmem:v15+s26+$0x0], $0xffff;
	[tilespmem:s8+$0xFFFFFFF0] =	vst v7;
	s8 =	smov.u32 s4  }
0x1f9: {  	v9 =	vbroadcast v9, $0x0;
	v13 =	vmov s13;
	v7 =	vand.u32 $0xFFFFFFFD, v10;
	v10 =	vld [tilespmem:s9+$0x4120];
	[tilespmem:s4+$0xFFFFFFA0] =	vst v4  }
0x1fa: {  	v7 =	vbroadcast v7, $0x0;
	v11 =	vld [tilespmem:s9+$0x4020];
	v14 =	vmul.f32 v12, v16;
	[tilespmem:s4+$0xFFFFFFD0] =	vst v16  }
0x1fb: {  	s12 =	sadd.s32 $0x2, s10;
	s10 =	sadd.s32 $0x4, s10;
	v12 =	vld [tilespmem:s9+$0x40A0];
	v15 =	vmul.f32 v17, v2;
	[tilespmem:s4+$0xFFFFFF70] =	vst v2;
	v2 =	vmov v18  }
0x1fc: {  	_ =	sdelay $0x1  }
0x1fd: {  	v17 =	vld [tilespmem:s9+$0x41A0];
	[tilespmem:s4+$0xFFFFFFC0] =	vst v14  }
0x1fe: {  	v4 =	vmul.f32 v8, v4;
	v51 =	vld [tilespmem:s22+$0x41B0];
	[tilespmem:s8+$0x0] =	vst v3  }
0x1ff: {  	v13 =	vld.idx.msk [tilespmem:v13+s26+$0x0], $0xffff;
	s7 =	sadd.s32 $0x1, s7;
	[tilespmem:s4+$0xFFFFFF60] =	vst v15;
	v10 =	vmul.f32 v10, v6  }
0x200: {  	v16 =	vmov s12;
	v52 =	vld.idx.msk [tilespmem:v9+s26+$0x0], $0xffff;
	s12 =	sadd.s32 $0xC0, s4;
	s10 =	sadd.s32 $0x200, s25;
	s7 =	sand.u32 $0x3FFFFFC0, s7;
	[tilespmem:s4+$0xFFFFFF90] =	vst v4;
	v53 =	vmul.f32 v11, v2  }
0x201: {  	v7 =	vld.idx.msk [tilespmem:v7+s26+$0x0], $0xffff;
	v50 =	vand.u32 $0xFFFFFFFE, v16;
	s7 =	sadd.s32 s7, s10;
	[tilespmem:s12+$0xFFFFFFB0] =	vst v10  }
0x202: {  	v8 =	vbroadcast v50, $0x0;
	v58 =	vld [tilespmem:s7+$0x4020];
	v54 =	vmul.f32 v12, v5;
	[tilespmem:s12+$0xFFFFFF50] =	vst v53  }
0x203: {  	v55 =	vld [tilespmem:s9+$0x4130];
	[tilespmem:s12+$0xFFFFFFD0] =	vst v6  }
0x204: {  	v59 =	vld [tilespmem:s7+$0x40A0];
	v56 =	vmul.f32 v17, v1;
	[tilespmem:s12+$0xFFFFFF80] =	vst v54  }
0x205: {  	v3 =	vmul.f32 v51, v3;
	v57 =	vld [tilespmem:s9+$0x4030];
	[tilespmem:s12+$0xFFFFFF70] =	vst v2  }
0x206: {  	v11 =	vld [tilespmem:s9+$0x40B0];
	[tilespmem:s12+$0xFFFFFFE0] =	vst v56  }
0x207: {  	[tilespmem:s8+$0xFFFFFFF0] =	vst v3;
	v3 =	vld [tilespmem:s7+$0x4120]  }
0x208: {  	[tilespmem:s12+$0xFFFFFFA0] =	vst v5;
	v8 =	vld.idx.msk [tilespmem:v8+s26+$0x0], $0xffff;
	v62 =	vmul.f32 v58, v52  }
0x209: {  	s13 =	sadd.s32 $0xC0, s12;
	v61 =	vld [tilespmem:s9+$0x41B0];
	[tilespmem:s12+$0x0] =	vst v1;
	v9 =	vmul.f32 v55, v6  }
0x20a: {  	v6 =	vmul.f32 v59, v7;
	[tilespmem:s13+$0xFFFFFF50] =	vst v62;
	v12 =	vmul.f32 v57, v2;
	v2 =	vld [tilespmem:s7+$0x41A0]  }
0x20b: {  	[tilespmem:s12+$0xFFFFFFC0] =	vst v9  }
0x20c: {  	[tilespmem:s13+$0xFFFFFF80] =	vst v6  }
0x20d: {  	v60 =	vmul.f32 v11, v5;
	v5 =	vld [tilespmem:s7+$0x4030];
	[tilespmem:s13+$0xFFFFFF70] =	vst v52;
	v3 =	vmul.f32 v3, v8  }
0x20e: {  	[tilespmem:s12+$0xFFFFFF60] =	vst v12  }
0x20f: {  	v6 =	vld [tilespmem:s7+$0x40B0];
	[tilespmem:s13+$0xFFFFFFB0] =	vst v3;
	v2 =	vmul.f32 v2, v13  }
0x210: {  	v1 =	vmul.f32 v61, v1;
	[tilespmem:s13+$0xFFFFFFA0] =	vst v7;
	v3 =	vld [tilespmem:s7+$0x4130]  }
0x211: {  	[tilespmem:s13+$0xFFFFFFE0] =	vst v2  }
0x212: {  	[tilespmem:s12+$0xFFFFFFF0] =	vst v1;
	v1 =	vld [tilespmem:s7+$0x41B0]  }
0x213: {  	[tilespmem:s12+$0xFFFFFF90] =	vst v60  }
0x214: {  	[tilespmem:s13+$0xFFFFFFD0] =	vst v8;
	v63 =	vmul.f32 v6, v7  }
0x215: {  	[tilespmem:s13+$0x0] =	vst v13;
	v2 =	vmul.f32 v3, v8  }
0x216: {  	[tilespmem:s13+$0xFFFFFF90] =	vst v63;
	v3 =	vmul.f32 v5, v52  }
0x217: {  	[tilespmem:s13+$0xFFFFFFC0] =	vst v2;
	v1 =	vmul.f32 v1, v13  }
0x218: {  	[tilespmem:s13+$0xFFFFFF60] =	vst v3  }
0x219: {  	s14 =	simm.s32 $0x10E00;
	[tilespmem:s13+$0xFFFFFFF0] =	vst v1  }
0x21a: {  	[spmem:s2] =	stream.indirect.scatter.add.f32 [tilespmem:s14], [sflag:$0x4], $0x30, s21, s19, $0xb8;
	[tilespmem:$0x16320] =	vst v63  }
0x21b: {  	_ =	swait.ge [sflag:s3], $0x1800  }
0x21c: {  	[sflag:s3] =	ssyncset.done $0x0  }
0x21d: {  	[sflag:s3] =	ssyncadd.s32 $0xFFFFE800  }
0x21e: {  	_ =	swait.ge [sflag:s3], $0x1800  }
0x21f: {  	[sflag:s3] =	ssyncset.done $0x0  }
0x220: {  	[sflag:s3] =	ssyncadd.s32 $0xFFFFE800  }
0x221: {  	_ =	swait.ge [sflag:s3], $0x1800  }
0x222: {  	[sflag:s3] =	ssyncset.done $0x0  }
0x223: {  	s15 =	stileid.u32;
	[sflag:s3] =	ssyncadd.s32 $0xFFFFE800  }
0x224: {  	s16 =	sshrl.u32 s11, $0x3;
	s22 =	simm.s32 $0x10;
	_ =	swait.ge [sflag:s3], $0x1800  }
0x225: {  	s25 =	simm.s32 $0x6;
	s28 =	sadd.s32 $0x1, s28;
	[sflag:s3] =	ssyncset.done $0x0  }
0x226: {  	p1 =	sne.s32 s28, s17;
	s4 =	sshll.u32 s15, $0x6;
	[sflag:s3] =	ssyncadd.s32 $0xFFFFE800  }
.Ltmp7:
0x227: {  	s4 =	sor.u32 $0x1C05, s4;
	[bflag:$0x0] =	sbarrier.arrive $0xFFFF;
	(pc) =	sbr.rel @p1 .LBB2_1-.Ltmp7, $4  }
0x228: {  	[hbm:s18@s22], [sflag:s4] =	dma.strided [spmem:s16@s25], $0x600, s23, $0x6   }
0x229: {  	_ =	swait.ge [sflag:s24], $0x600  }
0x22a: {  	[sflag:s24] =	ssyncset.done $0x0  }
0x22b: {  	[sflag:s24] =	ssyncadd.s32 $0xFFFFFA00  }
0x22c: {  	_ =	sfence.sel $0x180000  }
0x22d: {  	[bflag:$0x0] =	sbarrier.arrive $0xFFFF  }
0x22e: {  	_ =	strace $0x90000047  }
0x22f: {  	[bflag:$0x2] =	sbarrier.arrive $0xFFFF  }
0x230: {  	s0 =	rddreg [dreg:$0x5]  }
0x231: {  	s0 =	sadd.s32 @!p0 $0x100000, s0  }
0x232: {  	[sflag:s0] =	ssyncadd.tile.s32 @!p0 $0x1;
	_ =	shalt  }
.Lfunc_end2:
_tile_overlayer_lowered:
.L_overlay_start_2:
0x233: {  	(tag) =	ssettag $0x2  }
0x234: {  	s0 =	rddreg [dreg:$0x0];
	s2 =	stileid.u32  }
0x235: {  	s1 =	rddreg [dreg:$0x1];
	p0 =	sne.s32 s2, $0x0  }
0x236: {  	s3 =	rddreg [dreg:$0x2];
	[bflag:$0x3] =	sbarrier.arrive $0xFFFF;
	s2 =	simm.s32 @!p0 $0x1C05  }
0x237: {  	[timem:s3], [sflag:s2] =	dma.local @!p0 [hbm:s0], s1  }
0x238: {  	s0 =	simm.s32 @!p0 $0x5  }
0x239: {  	_ =	swait.ge @!p0 [sflag:s0], s1  }
0x23a: {  	s1 =	ssub.s32 @!p0 $0x0, s1;
	[sflag:s0] =	ssyncset.done @!p0 $0x0  }
0x23b: {  	[sflag:s0] =	ssyncadd.s32 @!p0 s1  }
0x23c: {  	[bflag:$0x3] =	sbarrier.arrive $0xFFFF  }
0x23d: {  	_ =	shalt  }

</sc_bundles>
